<compile_context>
chip_gen: v7x
topology: tpu7x:2x2x1
jax: 0.10.2.dev20260603
libtpu: 0.0.44.dev20260713+nightly
codegen_flags: <defaults>
</compile_context>

<pallas_src>
import functools

import jax
import jax.numpy as jnp
from jax import lax
from jax.experimental import pallas as pl
from jax.experimental.pallas import tpu as pltpu
from jax.experimental.pallas import tpu_sc as plsc

_BS = 2048
_SC_B = 1
_NW = 32
_CHUNK = 32768


def _tc_body(x_ref, p_ref, o_ref):
    x = x_ref[0]
    p = p_ref[...]
    o_ref[0] = x + jnp.where(x != 0.0, p, 0.0)


def _tc_part(x, pos_table):
    B, L, D = x.shape
    return pl.pallas_call(
        _tc_body,
        grid=(L // _BS, B - _SC_B),
        in_specs=[
            pl.BlockSpec((1, _BS, D), lambda s, b: (b + _SC_B, s, 0)),
            pl.BlockSpec((_BS, D), lambda s, b: (s, 0)),
        ],
        out_specs=pl.BlockSpec((1, _BS, D), lambda s, b: (b, s, 0)),
        out_shape=jax.ShapeDtypeStruct((B - _SC_B, L, D), x.dtype),
    )(x, pos_table)


def _sc_part(x_flat, p_flat):
    table_n = p_flat.shape[0]
    total = _SC_B * table_n
    per_w = total // _NW
    n_chunks = per_w // _CHUNK

    @functools.partial(
        pl.kernel,
        out_type=jax.ShapeDtypeStruct((total,), jnp.float32),
        mesh=plsc.VectorSubcoreMesh(core_axis_name="c", subcore_axis_name="s"),
        scratch_types=[
            pltpu.VMEM((_CHUNK,), jnp.float32),
            pltpu.VMEM((_CHUNK,), jnp.float32),
        ],
    )
    def sc_kernel(x_hbm, p_hbm, o_hbm, xv, pv):
        wid = lax.axis_index("s") * 2 + lax.axis_index("c")
        wbase = wid * per_w
        for k in range(n_chunks):
            base = pl.multiple_of(wbase + k * _CHUNK, 8)
            toff = pl.multiple_of(lax.bitwise_and(base, table_n - 1), 8)
            pltpu.sync_copy(x_hbm.at[pl.ds(base, _CHUNK)], xv)
            pltpu.sync_copy(p_hbm.at[pl.ds(toff, _CHUNK)], pv)

            @plsc.parallel_loop(0, _CHUNK, step=16, unroll=8)
            def _(i):
                v = xv[pl.ds(i, 16)]
                t = pv[pl.ds(i, 16)]
                xv[pl.ds(i, 16)] = v + jnp.where(v != 0.0, t, jnp.zeros_like(t))

            pltpu.sync_copy(xv, o_hbm.at[pl.ds(base, _CHUNK)])

    return sc_kernel(x_flat, p_flat)


def kernel(inputs, pos_table):
    B, L, D = inputs.shape
    sc_out = _sc_part(inputs.reshape(-1), pos_table.reshape(-1))
    tc_out = _tc_part(inputs, pos_table)
    return jnp.concatenate([sc_out.reshape(_SC_B, L, D), tc_out], axis=0)

# --- scband reference (transcript-rebuilt; emitter-appended) ---
"""Pipeline reference for scband-add-positional-embedding-63642825392369 (READ-ONLY COPY).

The authoritative reference and input builder live on the scoring server;
editing this copy changes nothing except your own understanding.
"""

import jax, jax.numpy as jnp
import numpy as np

SEQ_LEN = 4096
D_MODEL = 1024
BATCH = 4

def setup_inputs(seed: int = 0) -> dict:
    key = jax.random.key(seed)
    k1, k2 = jax.random.split(key)
    inputs = jax.random.normal(k1, (BATCH, SEQ_LEN, D_MODEL), dtype=jnp.float32)
    # learned positional embedding table, sized per init_kwargs (sequence_length x output_dim)
    pos_table = jax.random.normal(k2, (SEQ_LEN, D_MODEL), dtype=jnp.float32) * 0.02
    return {"inputs": inputs, "pos_table": pos_table}

def reference(inputs, pos_table):
    # Faithful translation of AddPositionalEmbedding.call
    L = inputs.shape[1]
    positions = jnp.arange(0, L, 1)
    embedded_positions = jnp.take(pos_table, positions, axis=0)  # [L, D]
    # tf.where broadcasts embedded_positions [L, D] against condition [B, L, D]
    embedded_positions_masked = jnp.where(inputs != 0, embedded_positions, jnp.zeros_like(embedded_positions))
    return inputs + embedded_positions_masked

if __name__ == "__main__":
    import jax
    _d = setup_inputs()
    print(jax.jit(kernel)(*tuple(_d.values())))

</pallas_src>

<mosaic_0001>
#map = affine_map<(d0, d1) -> (0)>
module attributes {stable_mosaic.version = 14 : i64} {
  func.func @sc_kernel(%arg0: i32, %arg1: i32, %arg2: memref<16777216xf32, #tpu.memory_space<hbm>>, %arg3: memref<4194304xf32, #tpu.memory_space<hbm>>, %arg4: memref<4194304xf32, #tpu.memory_space<hbm>>, %arg5: memref<32768xf32, #tpu.memory_space<vmem>>, %arg6: memref<32768xf32, #tpu.memory_space<vmem>>) attributes {dimension_semantics = [#tpu.dimension_semantics<core_parallel>, #tpu.dimension_semantics<subcore_parallel>], iteration_bounds = array<i64: 2, 16>, scalar_prefetch = 0 : i64, scratch_operands = 2 : i64, tpu.core_type = #tpu.core_type<sc_vector_subcore>, window_params = [{transform_indices = #map}, {transform_indices = #map}, {transform_indices = #map}]} {
    %mul3A = arith.constant 2 : i32
    %mul3A_0 = arith.muli %arg1, %mul3A : i32
    %add3A = arith.addi %mul3A_0, %arg0 : i32
    %mul3A_1 = arith.constant 131072 : i32
    %mul3A_2 = arith.muli %add3A, %mul3A_1 : i32
    %add3A_3 = arith.constant 0 : i32
    %add3A_4 = arith.addi %mul3A_2, %add3A_3 : i32
    %multiple_of3A = tpu.assume_multiple %add3A_4, 8 : i32
    %and3A = arith.constant 4194303 : i32
    %and3A_5 = arith.andi %multiple_of3A, %and3A : i32
    %multiple_of3A_6 = tpu.assume_multiple %and3A_5, 8 : i32
    "tpu.region"() ({
      %run_scoped3A = tpu.sem_alloc : memref<!tpu.dma_semaphore, #tpu.memory_space<semaphore_mem>>
      %dma_start3A = tpu.memref_slice %arg2[%multiple_of3A] : memref<16777216xf32, #tpu.memory_space<hbm>> -> memref<32768xf32, #tpu.memory_space<hbm>>
      %dma_start3A_36 = tpu.memref_slice %arg2[%multiple_of3A] : memref<16777216xf32, #tpu.memory_space<hbm>> -> memref<32768xf32, #tpu.memory_space<hbm>>
      tpu.enqueue_dma source(%dma_start3A_36 : memref<32768xf32, #tpu.memory_space<hbm>>) target(%arg5 : memref<32768xf32, #tpu.memory_space<vmem>>) target_semaphore(%run_scoped3A : memref<!tpu.dma_semaphore, #tpu.memory_space<semaphore_mem>>)
      %dma_wait3A = tpu.memref_slice %arg2[%multiple_of3A] : memref<16777216xf32, #tpu.memory_space<hbm>> -> memref<32768xf32, #tpu.memory_space<hbm>>
      %dma_wait3A_37 = tpu.memref_slice %arg2[%multiple_of3A] : memref<16777216xf32, #tpu.memory_space<hbm>> -> memref<32768xf32, #tpu.memory_space<hbm>>
      tpu.wait_dma2 semaphore(%run_scoped3A : memref<!tpu.dma_semaphore, #tpu.memory_space<semaphore_mem>>) src(%dma_wait3A_37 : memref<32768xf32, #tpu.memory_space<hbm>>) dst(%arg5 : memref<32768xf32, #tpu.memory_space<vmem>>)
      tpu.yield
    }) : () -> ()
    "tpu.region"() ({
      %run_scoped3A = tpu.sem_alloc : memref<!tpu.dma_semaphore, #tpu.memory_space<semaphore_mem>>
      %dma_start3A = tpu.memref_slice %arg3[%multiple_of3A_6] : memref<4194304xf32, #tpu.memory_space<hbm>> -> memref<32768xf32, #tpu.memory_space<hbm>>
      %dma_start3A_36 = tpu.memref_slice %arg3[%multiple_of3A_6] : memref<4194304xf32, #tpu.memory_space<hbm>> -> memref<32768xf32, #tpu.memory_space<hbm>>
      tpu.enqueue_dma source(%dma_start3A_36 : memref<32768xf32, #tpu.memory_space<hbm>>) target(%arg6 : memref<32768xf32, #tpu.memory_space<vmem>>) target_semaphore(%run_scoped3A : memref<!tpu.dma_semaphore, #tpu.memory_space<semaphore_mem>>)
      %dma_wait3A = tpu.memref_slice %arg3[%multiple_of3A_6] : memref<4194304xf32, #tpu.memory_space<hbm>> -> memref<32768xf32, #tpu.memory_space<hbm>>
      %dma_wait3A_37 = tpu.memref_slice %arg3[%multiple_of3A_6] : memref<4194304xf32, #tpu.memory_space<hbm>> -> memref<32768xf32, #tpu.memory_space<hbm>>
      tpu.wait_dma2 semaphore(%run_scoped3A : memref<!tpu.dma_semaphore, #tpu.memory_space<semaphore_mem>>) src(%dma_wait3A_37 : memref<32768xf32, #tpu.memory_space<hbm>>) dst(%arg6 : memref<32768xf32, #tpu.memory_space<vmem>>)
      tpu.yield
    }) : () -> ()
    %parallel_loop3A = arith.constant 0 : i32
    %parallel_loop3A_7 = arith.constant 32768 : i32
    %parallel_loop3A_8 = arith.constant 16 : i32
    scf.for %parallel_loop3A_36 = %parallel_loop3A to %parallel_loop3A_7 step %parallel_loop3A_8  : i32 {
      %parallel_loop3A_37 = arith.index_cast %parallel_loop3A_36 : i32 to index
      %parallel_loop3A_38 = tpu.vector_load %arg5[%parallel_loop3A_37] {strides = array<i32>} : memref<32768xf32, #tpu.memory_space<vmem>>, vector<16xf32>,
      %parallel_loop3A_39 = vector.shape_cast %parallel_loop3A_38 : vector<16xf32> to vector<16xf32>
      %parallel_loop3A_40 = arith.index_cast %parallel_loop3A_36 : i32 to index
      %parallel_loop3A_41 = tpu.vector_load %arg6[%parallel_loop3A_40] {strides = array<i32>} : memref<32768xf32, #tpu.memory_space<vmem>>, vector<16xf32>,
      %parallel_loop3A_42 = vector.shape_cast %parallel_loop3A_41 : vector<16xf32> to vector<16xf32>
      %parallel_loop3A_43 = arith.constant 0.000000e+00 : f32
      %parallel_loop3A_44 = vector.broadcast %parallel_loop3A_43 : f32 to vector<16xf32>
      %parallel_loop3A_45 = arith.cmpf one, %parallel_loop3A_39, %parallel_loop3A_44 : vector<16xf32>
      %parallel_loop3A_46 = arith.constant 0.000000e+00 : f32
      %parallel_loop3A_47 = vector.broadcast %parallel_loop3A_46 : f32 to vector<16xf32>
      %parallel_loop3A_48 = arith.select %parallel_loop3A_45, %parallel_loop3A_42, %parallel_loop3A_47 : vector<16xi1>, vector<16xf32>
      %parallel_loop3A_49 = arith.addf %parallel_loop3A_39, %parallel_loop3A_48 : vector<16xf32>
      %parallel_loop3A_50 = arith.index_cast %parallel_loop3A_36 : i32 to index
      %parallel_loop3A_51 = tpu.vector_load %arg5[%parallel_loop3A_50] {strides = array<i32>} : memref<32768xf32, #tpu.memory_space<vmem>>, vector<16xf32>,
      %parallel_loop3A_52 = vector.shape_cast %parallel_loop3A_51 : vector<16xf32> to vector<16xf32>
      %parallel_loop3A_53 = vector.shape_cast %parallel_loop3A_49 : vector<16xf32> to vector<16xf32>
      tpu.vector_store %arg5[%parallel_loop3A_50], %parallel_loop3A_53 {strides = array<i32>} : memref<32768xf32, #tpu.memory_space<vmem>>, vector<16xf32>,
    } {sc.loop_unroll_factor = 8 : i64, sc.parallel_access}
    "tpu.region"() ({
      %run_scoped3A = tpu.sem_alloc : memref<!tpu.dma_semaphore, #tpu.memory_space<semaphore_mem>>
      %dma_start3A = tpu.memref_slice %arg4[%multiple_of3A] : memref<4194304xf32, #tpu.memory_space<hbm>> -> memref<32768xf32, #tpu.memory_space<hbm>>
      %dma_start3A_36 = tpu.memref_slice %arg4[%multiple_of3A] : memref<4194304xf32, #tpu.memory_space<hbm>> -> memref<32768xf32, #tpu.memory_space<hbm>>
      tpu.enqueue_dma source(%arg5 : memref<32768xf32, #tpu.memory_space<vmem>>) target(%dma_start3A_36 : memref<32768xf32, #tpu.memory_space<hbm>>) target_semaphore(%run_scoped3A : memref<!tpu.dma_semaphore, #tpu.memory_space<semaphore_mem>>)
      %dma_wait3A = tpu.memref_slice %arg4[%multiple_of3A] : memref<4194304xf32, #tpu.memory_space<hbm>> -> memref<32768xf32, #tpu.memory_space<hbm>>
      %dma_wait3A_37 = tpu.memref_slice %arg4[%multiple_of3A] : memref<4194304xf32, #tpu.memory_space<hbm>> -> memref<32768xf32, #tpu.memory_space<hbm>>
      tpu.wait_dma2 semaphore(%run_scoped3A : memref<!tpu.dma_semaphore, #tpu.memory_space<semaphore_mem>>) src(%arg5 : memref<32768xf32, #tpu.memory_space<vmem>>) dst(%dma_wait3A_37 : memref<32768xf32, #tpu.memory_space<hbm>>)
      tpu.yield
    }) : () -> ()
    %add3A_9 = arith.constant 32768 : i32
    %add3A_10 = arith.addi %mul3A_2, %add3A_9 : i32
    %multiple_of3A_11 = tpu.assume_multiple %add3A_10, 8 : i32
    %and3A_12 = arith.constant 4194303 : i32
    %and3A_13 = arith.andi %multiple_of3A_11, %and3A_12 : i32
    %multiple_of3A_14 = tpu.assume_multiple %and3A_13, 8 : i32
    "tpu.region"() ({
      %run_scoped3A = tpu.sem_alloc : memref<!tpu.dma_semaphore, #tpu.memory_space<semaphore_mem>>
      %dma_start3A = tpu.memref_slice %arg2[%multiple_of3A_11] : memref<16777216xf32, #tpu.memory_space<hbm>> -> memref<32768xf32, #tpu.memory_space<hbm>>
      %dma_start3A_36 = tpu.memref_slice %arg2[%multiple_of3A_11] : memref<16777216xf32, #tpu.memory_space<hbm>> -> memref<32768xf32, #tpu.memory_space<hbm>>
      tpu.enqueue_dma source(%dma_start3A_36 : memref<32768xf32, #tpu.memory_space<hbm>>) target(%arg5 : memref<32768xf32, #tpu.memory_space<vmem>>) target_semaphore(%run_scoped3A : memref<!tpu.dma_semaphore, #tpu.memory_space<semaphore_mem>>)
      %dma_wait3A = tpu.memref_slice %arg2[%multiple_of3A_11] : memref<16777216xf32, #tpu.memory_space<hbm>> -> memref<32768xf32, #tpu.memory_space<hbm>>
      %dma_wait3A_37 = tpu.memref_slice %arg2[%multiple_of3A_11] : memref<16777216xf32, #tpu.memory_space<hbm>> -> memref<32768xf32, #tpu.memory_space<hbm>>
      tpu.wait_dma2 semaphore(%run_scoped3A : memref<!tpu.dma_semaphore, #tpu.memory_space<semaphore_mem>>) src(%dma_wait3A_37 : memref<32768xf32, #tpu.memory_space<hbm>>) dst(%arg5 : memref<32768xf32, #tpu.memory_space<vmem>>)
      tpu.yield
    }) : () -> ()
    "tpu.region"() ({
      %run_scoped3A = tpu.sem_alloc : memref<!tpu.dma_semaphore, #tpu.memory_space<semaphore_mem>>
      %dma_start3A = tpu.memref_slice %arg3[%multiple_of3A_14] : memref<4194304xf32, #tpu.memory_space<hbm>> -> memref<32768xf32, #tpu.memory_space<hbm>>
      %dma_start3A_36 = tpu.memref_slice %arg3[%multiple_of3A_14] : memref<4194304xf32, #tpu.memory_space<hbm>> -> memref<32768xf32, #tpu.memory_space<hbm>>
      tpu.enqueue_dma source(%dma_start3A_36 : memref<32768xf32, #tpu.memory_space<hbm>>) target(%arg6 : memref<32768xf32, #tpu.memory_space<vmem>>) target_semaphore(%run_scoped3A : memref<!tpu.dma_semaphore, #tpu.memory_space<semaphore_mem>>)
      %dma_wait3A = tpu.memref_slice %arg3[%multiple_of3A_14] : memref<4194304xf32, #tpu.memory_space<hbm>> -> memref<32768xf32, #tpu.memory_space<hbm>>
      %dma_wait3A_37 = tpu.memref_slice %arg3[%multiple_of3A_14] : memref<4194304xf32, #tpu.memory_space<hbm>> -> memref<32768xf32, #tpu.memory_space<hbm>>
      tpu.wait_dma2 semaphore(%run_scoped3A : memref<!tpu.dma_semaphore, #tpu.memory_space<semaphore_mem>>) src(%dma_wait3A_37 : memref<32768xf32, #tpu.memory_space<hbm>>) dst(%arg6 : memref<32768xf32, #tpu.memory_space<vmem>>)
      tpu.yield
    }) : () -> ()
    %parallel_loop3A_15 = arith.constant 0 : i32
    %parallel_loop3A_16 = arith.constant 32768 : i32
    %parallel_loop3A_17 = arith.constant 16 : i32
    scf.for %parallel_loop3A_36 = %parallel_loop3A_15 to %parallel_loop3A_16 step %parallel_loop3A_17  : i32 {
      %parallel_loop3A_37 = arith.index_cast %parallel_loop3A_36 : i32 to index
      %parallel_loop3A_38 = tpu.vector_load %arg5[%parallel_loop3A_37] {strides = array<i32>} : memref<32768xf32, #tpu.memory_space<vmem>>, vector<16xf32>,
      %parallel_loop3A_39 = vector.shape_cast %parallel_loop3A_38 : vector<16xf32> to vector<16xf32>
      %parallel_loop3A_40 = arith.index_cast %parallel_loop3A_36 : i32 to index
      %parallel_loop3A_41 = tpu.vector_load %arg6[%parallel_loop3A_40] {strides = array<i32>} : memref<32768xf32, #tpu.memory_space<vmem>>, vector<16xf32>,
      %parallel_loop3A_42 = vector.shape_cast %parallel_loop3A_41 : vector<16xf32> to vector<16xf32>
      %parallel_loop3A_43 = arith.constant 0.000000e+00 : f32
      %parallel_loop3A_44 = vector.broadcast %parallel_loop3A_43 : f32 to vector<16xf32>
      %parallel_loop3A_45 = arith.cmpf one, %parallel_loop3A_39, %parallel_loop3A_44 : vector<16xf32>
      %parallel_loop3A_46 = arith.constant 0.000000e+00 : f32
      %parallel_loop3A_47 = vector.broadcast %parallel_loop3A_46 : f32 to vector<16xf32>
      %parallel_loop3A_48 = arith.select %parallel_loop3A_45, %parallel_loop3A_42, %parallel_loop3A_47 : vector<16xi1>, vector<16xf32>
      %parallel_loop3A_49 = arith.addf %parallel_loop3A_39, %parallel_loop3A_48 : vector<16xf32>
      %parallel_loop3A_50 = arith.index_cast %parallel_loop3A_36 : i32 to index
      %parallel_loop3A_51 = tpu.vector_load %arg5[%parallel_loop3A_50] {strides = array<i32>} : memref<32768xf32, #tpu.memory_space<vmem>>, vector<16xf32>,
      %parallel_loop3A_52 = vector.shape_cast %parallel_loop3A_51 : vector<16xf32> to vector<16xf32>
      %parallel_loop3A_53 = vector.shape_cast %parallel_loop3A_49 : vector<16xf32> to vector<16xf32>
      tpu.vector_store %arg5[%parallel_loop3A_50], %parallel_loop3A_53 {strides = array<i32>} : memref<32768xf32, #tpu.memory_space<vmem>>, vector<16xf32>,
    } {sc.loop_unroll_factor = 8 : i64, sc.parallel_access}
    "tpu.region"() ({
      %run_scoped3A = tpu.sem_alloc : memref<!tpu.dma_semaphore, #tpu.memory_space<semaphore_mem>>
      %dma_start3A = tpu.memref_slice %arg4[%multiple_of3A_11] : memref<4194304xf32, #tpu.memory_space<hbm>> -> memref<32768xf32, #tpu.memory_space<hbm>>
      %dma_start3A_36 = tpu.memref_slice %arg4[%multiple_of3A_11] : memref<4194304xf32, #tpu.memory_space<hbm>> -> memref<32768xf32, #tpu.memory_space<hbm>>
      tpu.enqueue_dma source(%arg5 : memref<32768xf32, #tpu.memory_space<vmem>>) target(%dma_start3A_36 : memref<32768xf32, #tpu.memory_space<hbm>>) target_semaphore(%run_scoped3A : memref<!tpu.dma_semaphore, #tpu.memory_space<semaphore_mem>>)
      %dma_wait3A = tpu.memref_slice %arg4[%multiple_of3A_11] : memref<4194304xf32, #tpu.memory_space<hbm>> -> memref<32768xf32, #tpu.memory_space<hbm>>
      %dma_wait3A_37 = tpu.memref_slice %arg4[%multiple_of3A_11] : memref<4194304xf32, #tpu.memory_space<hbm>> -> memref<32768xf32, #tpu.memory_space<hbm>>
      tpu.wait_dma2 semaphore(%run_scoped3A : memref<!tpu.dma_semaphore, #tpu.memory_space<semaphore_mem>>) src(%arg5 : memref<32768xf32, #tpu.memory_space<vmem>>) dst(%dma_wait3A_37 : memref<32768xf32, #tpu.memory_space<hbm>>)
      tpu.yield
    }) : () -> ()
    %add3A_18 = arith.constant 65536 : i32
    %add3A_19 = arith.addi %mul3A_2, %add3A_18 : i32
    %multiple_of3A_20 = tpu.assume_multiple %add3A_19, 8 : i32
    %and3A_21 = arith.constant 4194303 : i32
    %and3A_22 = arith.andi %multiple_of3A_20, %and3A_21 : i32
    %multiple_of3A_23 = tpu.assume_multiple %and3A_22, 8 : i32
    "tpu.region"() ({
      %run_scoped3A = tpu.sem_alloc : memref<!tpu.dma_semaphore, #tpu.memory_space<semaphore_mem>>
      %dma_start3A = tpu.memref_slice %arg2[%multiple_of3A_20] : memref<16777216xf32, #tpu.memory_space<hbm>> -> memref<32768xf32, #tpu.memory_space<hbm>>
      %dma_start3A_36 = tpu.memref_slice %arg2[%multiple_of3A_20] : memref<16777216xf32, #tpu.memory_space<hbm>> -> memref<32768xf32, #tpu.memory_space<hbm>>
      tpu.enqueue_dma source(%dma_start3A_36 : memref<32768xf32, #tpu.memory_space<hbm>>) target(%arg5 : memref<32768xf32, #tpu.memory_space<vmem>>) target_semaphore(%run_scoped3A : memref<!tpu.dma_semaphore, #tpu.memory_space<semaphore_mem>>)
      %dma_wait3A = tpu.memref_slice %arg2[%multiple_of3A_20] : memref<16777216xf32, #tpu.memory_space<hbm>> -> memref<32768xf32, #tpu.memory_space<hbm>>
      %dma_wait3A_37 = tpu.memref_slice %arg2[%multiple_of3A_20] : memref<16777216xf32, #tpu.memory_space<hbm>> -> memref<32768xf32, #tpu.memory_space<hbm>>
      tpu.wait_dma2 semaphore(%run_scoped3A : memref<!tpu.dma_semaphore, #tpu.memory_space<semaphore_mem>>) src(%dma_wait3A_37 : memref<32768xf32, #tpu.memory_space<hbm>>) dst(%arg5 : memref<32768xf32, #tpu.memory_space<vmem>>)
      tpu.yield
    }) : () -> ()
    "tpu.region"() ({
      %run_scoped3A = tpu.sem_alloc : memref<!tpu.dma_semaphore, #tpu.memory_space<semaphore_mem>>
      %dma_start3A = tpu.memref_slice %arg3[%multiple_of3A_23] : memref<4194304xf32, #tpu.memory_space<hbm>> -> memref<32768xf32, #tpu.memory_space<hbm>>
      %dma_start3A_36 = tpu.memref_slice %arg3[%multiple_of3A_23] : memref<4194304xf32, #tpu.memory_space<hbm>> -> memref<32768xf32, #tpu.memory_space<hbm>>
      tpu.enqueue_dma source(%dma_start3A_36 : memref<32768xf32, #tpu.memory_space<hbm>>) target(%arg6 : memref<32768xf32, #tpu.memory_space<vmem>>) target_semaphore(%run_scoped3A : memref<!tpu.dma_semaphore, #tpu.memory_space<semaphore_mem>>)
      %dma_wait3A = tpu.memref_slice %arg3[%multiple_of3A_23] : memref<4194304xf32, #tpu.memory_space<hbm>> -> memref<32768xf32, #tpu.memory_space<hbm>>
      %dma_wait3A_37 = tpu.memref_slice %arg3[%multiple_of3A_23] : memref<4194304xf32, #tpu.memory_space<hbm>> -> memref<32768xf32, #tpu.memory_space<hbm>>
      tpu.wait_dma2 semaphore(%run_scoped3A : memref<!tpu.dma_semaphore, #tpu.memory_space<semaphore_mem>>) src(%dma_wait3A_37 : memref<32768xf32, #tpu.memory_space<hbm>>) dst(%arg6 : memref<32768xf32, #tpu.memory_space<vmem>>)
      tpu.yield
    }) : () -> ()
    %parallel_loop3A_24 = arith.constant 0 : i32
    %parallel_loop3A_25 = arith.constant 32768 : i32
    %parallel_loop3A_26 = arith.constant 16 : i32
    scf.for %parallel_loop3A_36 = %parallel_loop3A_24 to %parallel_loop3A_25 step %parallel_loop3A_26  : i32 {
      %parallel_loop3A_37 = arith.index_cast %parallel_loop3A_36 : i32 to index
      %parallel_loop3A_38 = tpu.vector_load %arg5[%parallel_loop3A_37] {strides = array<i32>} : memref<32768xf32, #tpu.memory_space<vmem>>, vector<16xf32>,
      %parallel_loop3A_39 = vector.shape_cast %parallel_loop3A_38 : vector<16xf32> to vector<16xf32>
      %parallel_loop3A_40 = arith.index_cast %parallel_loop3A_36 : i32 to index
      %parallel_loop3A_41 = tpu.vector_load %arg6[%parallel_loop3A_40] {strides = array<i32>} : memref<32768xf32, #tpu.memory_space<vmem>>, vector<16xf32>,
      %parallel_loop3A_42 = vector.shape_cast %parallel_loop3A_41 : vector<16xf32> to vector<16xf32>
      %parallel_loop3A_43 = arith.constant 0.000000e+00 : f32
      %parallel_loop3A_44 = vector.broadcast %parallel_loop3A_43 : f32 to vector<16xf32>
      %parallel_loop3A_45 = arith.cmpf one, %parallel_loop3A_39, %parallel_loop3A_44 : vector<16xf32>
      %parallel_loop3A_46 = arith.constant 0.000000e+00 : f32
      %parallel_loop3A_47 = vector.broadcast %parallel_loop3A_46 : f32 to vector<16xf32>
      %parallel_loop3A_48 = arith.select %parallel_loop3A_45, %parallel_loop3A_42, %parallel_loop3A_47 : vector<16xi1>, vector<16xf32>
      %parallel_loop3A_49 = arith.addf %parallel_loop3A_39, %parallel_loop3A_48 : vector<16xf32>
      %parallel_loop3A_50 = arith.index_cast %parallel_loop3A_36 : i32 to index
      %parallel_loop3A_51 = tpu.vector_load %arg5[%parallel_loop3A_50] {strides = array<i32>} : memref<32768xf32, #tpu.memory_space<vmem>>, vector<16xf32>,
      %parallel_loop3A_52 = vector.shape_cast %parallel_loop3A_51 : vector<16xf32> to vector<16xf32>
      %parallel_loop3A_53 = vector.shape_cast %parallel_loop3A_49 : vector<16xf32> to vector<16xf32>
      tpu.vector_store %arg5[%parallel_loop3A_50], %parallel_loop3A_53 {strides = array<i32>} : memref<32768xf32, #tpu.memory_space<vmem>>, vector<16xf32>,
    } {sc.loop_unroll_factor = 8 : i64, sc.parallel_access}
    "tpu.region"() ({
      %run_scoped3A = tpu.sem_alloc : memref<!tpu.dma_semaphore, #tpu.memory_space<semaphore_mem>>
      %dma_start3A = tpu.memref_slice %arg4[%multiple_of3A_20] : memref<4194304xf32, #tpu.memory_space<hbm>> -> memref<32768xf32, #tpu.memory_space<hbm>>
      %dma_start3A_36 = tpu.memref_slice %arg4[%multiple_of3A_20] : memref<4194304xf32, #tpu.memory_space<hbm>> -> memref<32768xf32, #tpu.memory_space<hbm>>
      tpu.enqueue_dma source(%arg5 : memref<32768xf32, #tpu.memory_space<vmem>>) target(%dma_start3A_36 : memref<32768xf32, #tpu.memory_space<hbm>>) target_semaphore(%run_scoped3A : memref<!tpu.dma_semaphore, #tpu.memory_space<semaphore_mem>>)
      %dma_wait3A = tpu.memref_slice %arg4[%multiple_of3A_20] : memref<4194304xf32, #tpu.memory_space<hbm>> -> memref<32768xf32, #tpu.memory_space<hbm>>
      %dma_wait3A_37 = tpu.memref_slice %arg4[%multiple_of3A_20] : memref<4194304xf32, #tpu.memory_space<hbm>> -> memref<32768xf32, #tpu.memory_space<hbm>>
      tpu.wait_dma2 semaphore(%run_scoped3A : memref<!tpu.dma_semaphore, #tpu.memory_space<semaphore_mem>>) src(%arg5 : memref<32768xf32, #tpu.memory_space<vmem>>) dst(%dma_wait3A_37 : memref<32768xf32, #tpu.memory_space<hbm>>)
      tpu.yield
    }) : () -> ()
    %add3A_27 = arith.constant 98304 : i32
    %add3A_28 = arith.addi %mul3A_2, %add3A_27 : i32
    %multiple_of3A_29 = tpu.assume_multiple %add3A_28, 8 : i32
    %and3A_30 = arith.constant 4194303 : i32
    %and3A_31 = arith.andi %multiple_of3A_29, %and3A_30 : i32
    %multiple_of3A_32 = tpu.assume_multiple %and3A_31, 8 : i32
    "tpu.region"() ({
      %run_scoped3A = tpu.sem_alloc : memref<!tpu.dma_semaphore, #tpu.memory_space<semaphore_mem>>
      %dma_start3A = tpu.memref_slice %arg2[%multiple_of3A_29] : memref<16777216xf32, #tpu.memory_space<hbm>> -> memref<32768xf32, #tpu.memory_space<hbm>>
      %dma_start3A_36 = tpu.memref_slice %arg2[%multiple_of3A_29] : memref<16777216xf32, #tpu.memory_space<hbm>> -> memref<32768xf32, #tpu.memory_space<hbm>>
      tpu.enqueue_dma source(%dma_start3A_36 : memref<32768xf32, #tpu.memory_space<hbm>>) target(%arg5 : memref<32768xf32, #tpu.memory_space<vmem>>) target_semaphore(%run_scoped3A : memref<!tpu.dma_semaphore, #tpu.memory_space<semaphore_mem>>)
      %dma_wait3A = tpu.memref_slice %arg2[%multiple_of3A_29] : memref<16777216xf32, #tpu.memory_space<hbm>> -> memref<32768xf32, #tpu.memory_space<hbm>>
      %dma_wait3A_37 = tpu.memref_slice %arg2[%multiple_of3A_29] : memref<16777216xf32, #tpu.memory_space<hbm>> -> memref<32768xf32, #tpu.memory_space<hbm>>
      tpu.wait_dma2 semaphore(%run_scoped3A : memref<!tpu.dma_semaphore, #tpu.memory_space<semaphore_mem>>) src(%dma_wait3A_37 : memref<32768xf32, #tpu.memory_space<hbm>>) dst(%arg5 : memref<32768xf32, #tpu.memory_space<vmem>>)
      tpu.yield
    }) : () -> ()
    "tpu.region"() ({
      %run_scoped3A = tpu.sem_alloc : memref<!tpu.dma_semaphore, #tpu.memory_space<semaphore_mem>>
      %dma_start3A = tpu.memref_slice %arg3[%multiple_of3A_32] : memref<4194304xf32, #tpu.memory_space<hbm>> -> memref<32768xf32, #tpu.memory_space<hbm>>
      %dma_start3A_36 = tpu.memref_slice %arg3[%multiple_of3A_32] : memref<4194304xf32, #tpu.memory_space<hbm>> -> memref<32768xf32, #tpu.memory_space<hbm>>
      tpu.enqueue_dma source(%dma_start3A_36 : memref<32768xf32, #tpu.memory_space<hbm>>) target(%arg6 : memref<32768xf32, #tpu.memory_space<vmem>>) target_semaphore(%run_scoped3A : memref<!tpu.dma_semaphore, #tpu.memory_space<semaphore_mem>>)
      %dma_wait3A = tpu.memref_slice %arg3[%multiple_of3A_32] : memref<4194304xf32, #tpu.memory_space<hbm>> -> memref<32768xf32, #tpu.memory_space<hbm>>
      %dma_wait3A_37 = tpu.memref_slice %arg3[%multiple_of3A_32] : memref<4194304xf32, #tpu.memory_space<hbm>> -> memref<32768xf32, #tpu.memory_space<hbm>>
      tpu.wait_dma2 semaphore(%run_scoped3A : memref<!tpu.dma_semaphore, #tpu.memory_space<semaphore_mem>>) src(%dma_wait3A_37 : memref<32768xf32, #tpu.memory_space<hbm>>) dst(%arg6 : memref<32768xf32, #tpu.memory_space<vmem>>)
      tpu.yield
    }) : () -> ()
    %parallel_loop3A_33 = arith.constant 0 : i32
    %parallel_loop3A_34 = arith.constant 32768 : i32
    %parallel_loop3A_35 = arith.constant 16 : i32
    scf.for %parallel_loop3A_36 = %parallel_loop3A_33 to %parallel_loop3A_34 step %parallel_loop3A_35  : i32 {
      %parallel_loop3A_37 = arith.index_cast %parallel_loop3A_36 : i32 to index
      %parallel_loop3A_38 = tpu.vector_load %arg5[%parallel_loop3A_37] {strides = array<i32>} : memref<32768xf32, #tpu.memory_space<vmem>>, vector<16xf32>,
      %parallel_loop3A_39 = vector.shape_cast %parallel_loop3A_38 : vector<16xf32> to vector<16xf32>
      %parallel_loop3A_40 = arith.index_cast %parallel_loop3A_36 : i32 to index
      %parallel_loop3A_41 = tpu.vector_load %arg6[%parallel_loop3A_40] {strides = array<i32>} : memref<32768xf32, #tpu.memory_space<vmem>>, vector<16xf32>,
      %parallel_loop3A_42 = vector.shape_cast %parallel_loop3A_41 : vector<16xf32> to vector<16xf32>
      %parallel_loop3A_43 = arith.constant 0.000000e+00 : f32
      %parallel_loop3A_44 = vector.broadcast %parallel_loop3A_43 : f32 to vector<16xf32>
      %parallel_loop3A_45 = arith.cmpf one, %parallel_loop3A_39, %parallel_loop3A_44 : vector<16xf32>
      %parallel_loop3A_46 = arith.constant 0.000000e+00 : f32
      %parallel_loop3A_47 = vector.broadcast %parallel_loop3A_46 : f32 to vector<16xf32>
      %parallel_loop3A_48 = arith.select %parallel_loop3A_45, %parallel_loop3A_42, %parallel_loop3A_47 : vector<16xi1>, vector<16xf32>
      %parallel_loop3A_49 = arith.addf %parallel_loop3A_39, %parallel_loop3A_48 : vector<16xf32>
      %parallel_loop3A_50 = arith.index_cast %parallel_loop3A_36 : i32 to index
      %parallel_loop3A_51 = tpu.vector_load %arg5[%parallel_loop3A_50] {strides = array<i32>} : memref<32768xf32, #tpu.memory_space<vmem>>, vector<16xf32>,
      %parallel_loop3A_52 = vector.shape_cast %parallel_loop3A_51 : vector<16xf32> to vector<16xf32>
      %parallel_loop3A_53 = vector.shape_cast %parallel_loop3A_49 : vector<16xf32> to vector<16xf32>
      tpu.vector_store %arg5[%parallel_loop3A_50], %parallel_loop3A_53 {strides = array<i32>} : memref<32768xf32, #tpu.memory_space<vmem>>, vector<16xf32>,
    } {sc.loop_unroll_factor = 8 : i64, sc.parallel_access}
    "tpu.region"() ({
      %run_scoped3A = tpu.sem_alloc : memref<!tpu.dma_semaphore, #tpu.memory_space<semaphore_mem>>
      %dma_start3A = tpu.memref_slice %arg4[%multiple_of3A_29] : memref<4194304xf32, #tpu.memory_space<hbm>> -> memref<32768xf32, #tpu.memory_space<hbm>>
      %dma_start3A_36 = tpu.memref_slice %arg4[%multiple_of3A_29] : memref<4194304xf32, #tpu.memory_space<hbm>> -> memref<32768xf32, #tpu.memory_space<hbm>>
      tpu.enqueue_dma source(%arg5 : memref<32768xf32, #tpu.memory_space<vmem>>) target(%dma_start3A_36 : memref<32768xf32, #tpu.memory_space<hbm>>) target_semaphore(%run_scoped3A : memref<!tpu.dma_semaphore, #tpu.memory_space<semaphore_mem>>)
      %dma_wait3A = tpu.memref_slice %arg4[%multiple_of3A_29] : memref<4194304xf32, #tpu.memory_space<hbm>> -> memref<32768xf32, #tpu.memory_space<hbm>>
      %dma_wait3A_37 = tpu.memref_slice %arg4[%multiple_of3A_29] : memref<4194304xf32, #tpu.memory_space<hbm>> -> memref<32768xf32, #tpu.memory_space<hbm>>
      tpu.wait_dma2 semaphore(%run_scoped3A : memref<!tpu.dma_semaphore, #tpu.memory_space<semaphore_mem>>) src(%arg5 : memref<32768xf32, #tpu.memory_space<vmem>>) dst(%dma_wait3A_37 : memref<32768xf32, #tpu.memory_space<hbm>>)
      tpu.yield
    }) : () -> ()
    return
  }
}

module attributes {stable_mosaic.version = 14 : i64} {
  func.func @_tc_body(%arg0: i32, %arg1: i32, %arg2: memref<1x2048x1024xf32, #tpu.memory_space<vmem>>, %arg3: memref<2048x1024xf32, #tpu.memory_space<vmem>>, %arg4: memref<1x2048x1024xf32, #tpu.memory_space<vmem>>) attributes {dimension_semantics = [#tpu.dimension_semantics<arbitrary>, #tpu.dimension_semantics<arbitrary>], iteration_bounds = array<i64: 2, 3>, scalar_prefetch = 0 : i64, scratch_operands = 0 : i64, tpu.core_type = #tpu.core_type<tc>, window_params = [{transform_indices = @transform_0, window_bounds = array<i64: 1, 2048, 1024>}, {transform_indices = @transform_1, window_bounds = array<i64: 2048, 1024>}, {transform_indices = @transform_2, window_bounds = array<i64: 1, 2048, 1024>}]} {
    %get3A = arith.constant 0 : index
    %get3A_0 = arith.constant 0 : index
    %get3A_1 = arith.constant 0 : index
    %get3A_2 = vector.load %arg2[%get3A, %get3A_0, %get3A_1] : memref<1x2048x1024xf32, #tpu.memory_space<vmem>>, vector<1x2048x1024xf32>
    %get3A_3 = vector.shape_cast %get3A_2 : vector<1x2048x1024xf32> to vector<2048x1024xf32>
    %get3A_4 = arith.constant 0 : index
    %get3A_5 = arith.constant 0 : index
    %get3A_6 = vector.load %arg3[%get3A_4, %get3A_5] : memref<2048x1024xf32, #tpu.memory_space<vmem>>, vector<2048x1024xf32>
    %ne3A = arith.constant 0.000000e+00 : f32
    %ne3A_7 = vector.broadcast %ne3A : f32 to vector<2048x1024xf32>
    %ne3A_8 = arith.cmpf one, %get3A_3, %ne3A_7 : vector<2048x1024xf32>
    %jit3A = arith.constant 0.000000e+00 : f32
    %broadcast_in_dim3A = vector.broadcast %jit3A : f32 to vector<2048x1024xf32>
    %select_n3A = arith.select %ne3A_8, %get3A_6, %broadcast_in_dim3A : vector<2048x1024xi1>, vector<2048x1024xf32>
    %add3A = arith.addf %get3A_3, %select_n3A : vector<2048x1024xf32>
    %swap3A = arith.constant 0 : index
    %swap3A_9 = arith.constant 0 : index
    %swap3A_10 = arith.constant 0 : index
    %swap3A_11 = vector.load %arg4[%swap3A, %swap3A_9, %swap3A_10] : memref<1x2048x1024xf32, #tpu.memory_space<vmem>>, vector<1x2048x1024xf32>
    %swap3A_12 = vector.shape_cast %swap3A_11 : vector<1x2048x1024xf32> to vector<2048x1024xf32>
    %swap3A_13 = vector.shape_cast %add3A : vector<2048x1024xf32> to vector<1x2048x1024xf32>
    tpu.vector_store %arg4[%swap3A, %swap3A_9, %swap3A_10], %swap3A_13 {strides = array<i32>} : memref<1x2048x1024xf32, #tpu.memory_space<vmem>>, vector<1x2048x1024xf32>,
    return
  }
  func.func @transform_0(%arg0: i32, %arg1: i32) -> (i32, i32, i32) {
    %add3A = arith.constant 1 : i32
    %add3A_0 = arith.addi %arg1, %add3A : i32
    %c0_i32 = arith.constant 0 : i32
    %c0_i32_1 = arith.constant 0 : i32
    return %add3A_0, %arg0, %c0_i32 : i32, i32, i32
  }
  func.func @transform_1(%arg0: i32, %arg1: i32) -> (i32, i32) {
    %c0_i32 = arith.constant 0 : i32
    %c0_i32_0 = arith.constant 0 : i32
    return %arg0, %c0_i32 : i32, i32
  }
  func.func @transform_2(%arg0: i32, %arg1: i32) -> (i32, i32, i32) {
    %c0_i32 = arith.constant 0 : i32
    %c0_i32_0 = arith.constant 0 : i32
    return %arg1, %arg0, %c0_i32 : i32, i32, i32
  }
}

</mosaic_0001>

<sc_bundles>
// kernel: kernel.4.cloned.1.call-start
scs
__scs_entry_jumppad:
0x0: {  	(pc) =	sbr.rel $0x88, $3  }
0x1: {  	(tag) =	ssettag $0x0;
	lr =	simm.s32 $0x1  }
0x2: {  	[smem:$0x3F9F] =	sst lr;
	_ =	strace $0xD0000000  }
0x3: {  	_ = 	snop  }
0x4: {  	_ = 	snop  }
0x5: {  	_ = 	snop  }
0x6: {  	_ = 	snop  }
0x7: {  	_ = 	snop  }
__scs_overlays_trampoline_lowered:
0x8: {  	[smem:$0x3FAE] =	sst s0  }
0x9: {  	[smem:$0x3FAF] =	sst s1  }
0xa: {  	[smem:$0x3FB0] =	sst s2  }
0xb: {  	[smem:$0x3FB1] =	sst s3  }
0xc: {  	[smem:$0x3FB2] =	sst s4  }
0xd: {  	[smem:$0x3FB3] =	sst s5  }
0xe: {  	[smem:$0x3FB4] =	sst s6  }
0xf: {  	[smem:$0x3FB5] =	sst s7  }
0x10: {  	[smem:$0x3FB6] =	sst s8  }
0x11: {  	[smem:$0x3FB7] =	sst s9;
	s0 =	simm.s32 @!p0 $0x0  }
0x12: {  	s1 =	sld [smem:$0x3F9D];
	s0 =	simm.s32 @p0 $0x1  }
0x13: {  	[smem:$0x3FB8] =	sst s0;
	s0 =	simm.s32 @!p1 $0x0  }
0x14: {  	s2 =	sld [smem:$0x3F9C];
	s0 =	simm.s32 @p1 $0x1  }
0x15: {  	[smem:$0x3FB9] =	sst s0;
	s0 =	simm.s32 @!p2 $0x0  }
0x16: {  	s3 =	sld [smem:$0x3FDB];
	s0 =	simm.s32 @p2 $0x1  }
0x17: {  	s4 =	simm.s32 $0x1BF5;
	[smem:$0x3FBB] =	sst s0  }
0x18: {  	s0 =	sld [smem:$0x3F9E];
	_ =	swait.ge [sflag:s4], $0x0  }
0x19: {  	s7 =	sld [smem:$0x3F9F]  }
0x1a: {  	s8 =	sadd.s32 $0xFFFFE003, lr  }
0x1b: {  	s9 =	sadd.s32 $0xFFFFFEF7, lr;
	s5 =	simm.s32 $0xFFFFFFFF;
	p2 =	slt.u32 s8, $0xFFFFF086  }
0x1c: {  	p1 =	slt.u32 s9, $0xF7A;
	s5 =	simm.s32 @!p2 $0x0  }
0x1d: {  	s5 =	simm.s32 @p1 $0x1;
	p0 =	seq.s32 s7, s2  }
0x1e: {  	s7 =	smul.u32 @!p0 $0xF7A, s2;
	p2 =	seq.s32 @!p0 s5, $0x0  }
0x1f: {  	s9 =	smul.u32 $0xF7A, s1;
	s8 =	simm.s32 @!p0 $0x1BF5;
	p2 =	por !p2, p0  }
0x20: {  	[sflag:s8] =	ssyncset.s32 @!p0 $0xFFFFF086;
	s6 =	sadd.s32 @!p0 s3, s7;
	s7 =	simm.s32 @!p0 $0x108  }
0x21: {  	s3 =	sadd.s32 s3, s9;
	s6 =	sadd.s32 @!p0 $0x88, s6;
	s7 =	simm.s32 @p2 $0x1082  }
0x22: {  	[simem:s7], [sflag:s8] =	dma.local @!p0 [hbm:s6], $0xF7A  }
0x23: {  	s9 =	sor.u32 $0xD0000000, s2;
	s6 =	simm.s32 $0x108;
	_ =	swait.ge @!p0 [sflag:s8], $0x0  }
0x24: {  	s3 =	sadd.s32 $0x88, s3;
	s6 =	simm.s32 @!p1 $0x1082;
	[sflag:s4] =	ssyncset.s32 $0xFFFFF086  }
0x25: {  	[simem:s6], [sflag:s4] =	dma.local [hbm:s3], $0xF7A  }
0x26: {  	[smem:$0x3F9F] =	sst s1;
	(tag) =	ssettag s2;
	_ =	strace s9  }
0x27: {  	s1 =	sld [smem:$0x3FAF]  }
0x28: {  	s2 =	sld [smem:$0x3FB0]  }
0x29: {  	s4 =	sld [smem:$0x3FB2]  }
0x2a: {  	p0 =	seq.s32 s5, $0x0;
	s5 =	sld [smem:$0x3FB3]  }
0x2b: {  	s6 =	sld [smem:$0x3FB4]  }
0x2c: {  	s7 =	sld [smem:$0x3FB5]  }
0x2d: {  	s3 =	simm.s32 $0x108;
	s8 =	sld [smem:$0x3FB6]  }
0x2e: {  	s3 =	simm.s32 @!p0 $0x1082;
	s9 =	sld [smem:$0x3FB7]  }
0x2f: {  	lr =	sadd.s32 s0, s3;
	s0 =	sld [smem:$0x3FAE]  }
0x30: {  	s3 =	sld [smem:$0x3FB1]  }
0x31: {  	[smem:$0x3FBA] =	sst s10  }
0x32: {  	s10 =	sld [smem:$0x3FB8];
	_ =	sdelay $0x3  }
0x33: {  	p0 =	seq.s32 s10, $0x1;
	s10 =	sld [smem:$0x3FBA];
	_ =	sdelay $0x3  }
0x34: {  	[smem:$0x3FBA] =	sst s10  }
0x35: {  	s10 =	sld [smem:$0x3FB9];
	_ =	sdelay $0x3  }
0x36: {  	p1 =	seq.s32 s10, $0x1;
	s10 =	sld [smem:$0x3FBA];
	_ =	sdelay $0x3  }
0x37: {  	[smem:$0x3FBA] =	sst s10  }
0x38: {  	s10 =	sld [smem:$0x3FBB]  }
0x39: {  	_ = 	snop;
	(pc) =	sbr.ind lr, $3  }
0x3a: {  	_ = 	snop  }
0x3b: {  	_ = 	snop  }
0x3c: {  	p2 =	seq.s32 s10, $0x1;
	s10 =	sld [smem:$0x3FBA]  }
0x3d: {  	_ =	shalt  }
0x3e: {  	_ =	shalt  }
0x3f: {  	_ =	shalt  }
0x40: {  	_ =	shalt  }
0x41: {  	_ =	shalt  }
0x42: {  	_ =	shalt  }
0x43: {  	_ =	shalt  }
0x44: {  	_ =	shalt  }
0x45: {  	_ =	shalt  }
0x46: {  	_ =	shalt  }
0x47: {  	_ =	shalt  }
0x48: {  	_ =	shalt  }
0x49: {  	_ =	shalt  }
0x4a: {  	_ =	shalt  }
0x4b: {  	_ =	shalt  }
0x4c: {  	_ =	shalt  }
0x4d: {  	_ =	shalt  }
0x4e: {  	_ =	shalt  }
0x4f: {  	_ =	shalt  }
0x50: {  	_ =	shalt  }
0x51: {  	_ =	shalt  }
0x52: {  	_ =	shalt  }
0x53: {  	_ =	shalt  }
0x54: {  	_ =	shalt  }
0x55: {  	_ =	shalt  }
0x56: {  	_ =	shalt  }
0x57: {  	_ =	shalt  }
0x58: {  	_ =	shalt  }
0x59: {  	_ =	shalt  }
0x5a: {  	_ =	shalt  }
0x5b: {  	_ =	shalt  }
0x5c: {  	_ =	shalt  }
0x5d: {  	_ =	shalt  }
0x5e: {  	_ =	shalt  }
0x5f: {  	_ =	shalt  }
0x60: {  	_ =	shalt  }
0x61: {  	_ =	shalt  }
0x62: {  	_ =	shalt  }
0x63: {  	_ =	shalt  }
0x64: {  	_ =	shalt  }
0x65: {  	_ =	shalt  }
0x66: {  	_ =	shalt  }
0x67: {  	_ =	shalt  }
0x68: {  	_ =	shalt  }
0x69: {  	_ =	shalt  }
0x6a: {  	_ =	shalt  }
0x6b: {  	_ =	shalt  }
0x6c: {  	_ =	shalt  }
0x6d: {  	_ =	shalt  }
0x6e: {  	_ =	shalt  }
0x6f: {  	_ =	shalt  }
0x70: {  	_ =	shalt  }
0x71: {  	_ =	shalt  }
0x72: {  	_ =	shalt  }
0x73: {  	_ =	shalt  }
0x74: {  	_ =	shalt  }
0x75: {  	_ =	shalt  }
0x76: {  	_ =	shalt  }
0x77: {  	_ =	shalt  }
0x78: {  	_ =	shalt  }
0x79: {  	_ =	shalt  }
0x7a: {  	_ =	shalt  }
0x7b: {  	_ =	shalt  }
0x7c: {  	_ =	shalt  }
0x7d: {  	_ =	shalt  }
0x7e: {  	_ =	shalt  }
0x7f: {  	_ =	shalt  }
0x80: {  	_ =	shalt  }
0x81: {  	_ =	shalt  }
0x82: {  	_ =	shalt  }
0x83: {  	_ =	shalt  }
0x84: {  	_ =	shalt  }
0x85: {  	_ =	shalt  }
0x86: {  	_ =	shalt  }
0x87: {  	_ =	shalt  }
.Lfunc_end0:
.L_simem_size_0:
called_computation.1_lowered:
.L_overlay_start_0:
0x88: {  	s2 =	sld [smem:$0x3FD9]  }
0x89: {  	s3 =	sld [smem:$0x3FFE];
	_ =	sdelay $0x1  }
0x8a: {  	s1 =	srdreg.scid  }
0x8b: {  	s0 =	sand.u32 $0x1, s1  }
0x8c: {  	s17 =	sshll.u32 s0, $0xA;
	s2 =	sadd.s32 s3, s2  }
0x8d: {  	s2 =	sadd.s32 s2, s17  }
0x8e: {  	[smem:$0x3FC6] =	sst s2  }
0x8f: {  	_ = 	snop  }
0x90: {  	s2 =	sld [smem:$0x3FD0];
	(tm) =	ssettm $0x1  }
0x91: {  	s18 =	sld [smem:$0x3FFB];
	_ =	sdelay $0x3  }
0x92: {  	_ =	strace s18  }
0x93: {  	s3 =	sld [smem:$0x3FFC];
	_ =	sdelay $0x3  }
0x94: {  	_ =	strace s3  }
0x95: {  	s3 =	sld [smem:$0x3FFD];
	_ =	sdelay $0x3  }
0x96: {  	_ =	strace s3  }
0x97: {  	_ =	strace $0x8FFFFFFF  }
0x98: {  	s19 =	sld [smem:$0x3FDB];
	_ =	sdelay $0x1  }
0x99: {  	s4 =	simm.s32 $_scs_section_size  }
0x9a: {  	s5 =	simm.s32 $_size__tile_overlayer_lowered;
	s6 =	simm.s32 $_tile_overlayer_lowered  }
0x9b: {  	s22 =	simm.s32 $0x1BFF;
	s21 =	sshll.u32 s6, $0x1;
	s3 =	sadd.s32 s4, s19  }
0x9c: {  	s7 =	simm.s32 $0x0;
	s20 =	sshll.u32 s5, $0x1;
	s5 =	sadd.s32 s21, s3  }
0x9d: {  	[timem:s7], [sflag:s22] =	dma.local [hbm:s5], s20  }
0x9e: {  	_ =	swait.ge [sflag:s22], s20  }
0x9f: {  	s4 =	ssub.s32 $0x0, s20;
	[sflag:s22] =	ssyncset.done $0x0  }
0xa0: {  	[sflag:s22] =	ssyncadd.s32 s4;
	_ =	sdelay $0x1  }
0xa1: {  	s23 =	simm.s32 $0x1B8B  }
0xa2: {  	_ =	swait.ge [sflag:s23], $0x1  }
0xa3: {  	[sflag:s23] =	ssyncset.done $0x0  }
0xa4: {  	s25 =	simm.s32 $0x1B8E;
	s24 =	sld [smem:$0x3FFE];
	[sflag:s23] =	ssyncadd.s32 $0xFFFFFFFF  }
0xa5: {  	s26 =	simm.s32 $execute0_lowered;
	[smem:$0x3FD2] =	sst s25  }
0xa6: {  	s5 =	sshll.u32 s26, $0x1;
	_ =	strace $0x80000049;
	[dreg:$0x1] =	wrdreg $0xFFFFFFFF  }
0xa7: {  	s28 =	simm.s32 $_size_execute0_lowered;
	s3 =	sadd.s32 s3, s5;
	[dreg:$0x0] =	wrdreg $0x0  }
0xa8: {  	s5 =	sshll.u32 s28, $0x1;
	[dreg:$0x2] =	wrdreg s3  }
0xa9: {  	[dreg:$0x3] =	wrdreg s5  }
0xaa: {  	[dreg:$0x4] =	wrdreg $0xC0  }
0xab: {  	_ =	task [dreg:s7], $0x5FFFF  }
0xac: {  	[dreg:$0x1] =	wrdreg $0xFFFFFFFF  }
0xad: {  	[dreg:$0x0] =	wrdreg $0x60  }
0xae: {  	[dreg:$0x2] =	wrdreg s2  }
0xaf: {  	[dreg:$0x3] =	wrdreg s24  }
0xb0: {  	[dreg:$0x4] =	wrdreg $0x9  }
0xb1: {  	_ =	task.clear_ibuf [dreg:s7], $0x5FFFF;
	_ =	strace $0x90000049  }
0xb2: {  	s29 =	simm.s32 $0x9;
	_ =	strace $0x8000004B  }
0xb3: {  	_ =	swait.ge [sflag:s29], $0x1  }
0xb4: {  	[sflag:s29] =	ssyncadd.s32 $0xFFFFFFFF  }
0xb5: {  	_ =	strace $0x9000004B  }
0xb6: {  	_ =	sfence  }
0xb7: {  	s30 =	sld [smem:$0x0];
	_ =	sdelay $0x2  }
0xb8: {  	s31 =	sshll.u32 s1, $0xD;
	s1 =	sshrl.u32 s1, $0x2  }
0xb9: {  	s3 =	sand.u32 $0x4000, s31;
	s1 =	sadd.s32 s1, s30  }
0xba: {  	s0 =	sor.u32 s3, s0;
	s1 =	sshll.u32 s1, $0x11  }
0xbb: {  	s0 =	sor.u32 s1, s0  }
0xbc: {  	s0 =	sadd.s32 $0x8F2B, s0  }
0xbd: {  	[sflag:s0] =	ssyncadd.remote.s32 $0x1  }
0xbe: {  	_ =	sfence.sel $0xFFFF  }
0xbf: {  	[dreg:$0x0] =	wrdreg $0xFFFFFFFF;
	(pc) =	sbr.abs _section_cstart, $3  }
0xc0: {  	[dreg:$0x1] =	wrdreg $0xFFFFFFFF  }
0xc1: {  	_ =	task.clear_ibuf [dreg:s7], $0x2FFFF;
	_ =	strace $0x9FFFFFFF  }
0xc2: {  	(tm) =	ssettm $0x7FFFFFFF  }
0xc3: {  	_ =	shalt  }
tec
execute0_lowered:
.L_overlay_start_1:
0x0: {  	(tag) =	ssettag $0x1  }
0x1: {  	s12 =	rddreg [dreg:$0x0]  }
0x2: {  	s3 =	rddreg [dreg:$0x1]  }
0x3: {  	s0 =	rddreg [dreg:$0x2]  }
0x4: {  	s2 =	simm.s32 $0x0;
	s4 =	srdreg.scid;
	s1 =	stileid.u32  }
0x5: {  	s17 =	simm.s32 $0x8000;
	s18 =	simm.s32 $0x0;
	[smem:$0x7FF] =	sst s2  }
0x6: {  	s4 =	sand.u32 $0x1, s4;
	s6 =	sshll.u32 s1, $0xF;
	s13 =	sadd.s32 $0xA00, s3  }
0x7: {  	s14 =	sadd.s32 $0x80A00, s3;
	s5 =	ssub.s32 $0x2, s4;
	s4 =	sshll.u32 s4, $0xE  }
0x8: {  	_ =	strace $0x8000004A;
	s7 =	sshrl.u32 s5, $0x1;
	s10 =	sor.u32 s4, s6  }
0x9: {  	s15 =	ssub.s32 s5, s7;
	s3 =	sadd.s32 s12, s10;
	s4 =	sadd.s32 s13, s10  }
0xa: {  	s5 =	sadd.s32 s14, s10;
	s8 =	sor.u32 $0x1000, s10;
	s11 =	sor.u32 $0x2000, s10  }
0xb: {  	s16 =	sor.u32 $0x3000, s10;
	s6 =	sadd.s32 s12, s8;
	s7 =	sadd.s32 s13, s8  }
0xc: {  	s8 =	sadd.s32 s14, s8;
	s9 =	sadd.s32 s12, s11;
	s10 =	sadd.s32 s13, s11  }
0xd: {  	s11 =	sadd.s32 s14, s11;
	s12 =	sadd.s32 s12, s16;
	s13 =	sadd.s32 s13, s16  }
0xe: {  	s14 =	sadd.s32 s14, s16;
	s15 =	smax.u32 s15, $0x1;
	s16 =	simm.s32 $0x1  }
.LBB2_1:
0xf: {  	[tilespmem:s2], [sflag:$0x1] =	stream.linear.gather [hbm4b:s3+s2], $0x8000, $0x38;
	[tilespmem:$0x10000] =	vst v63  }
0x10: {  	_ =	swait.ge [sflag:s16], $0x8000  }
0x11: {  	[sflag:s16] =	ssyncset.done $0x0  }
0x12: {  	[sflag:s16] =	ssyncadd.s32 $0xFFFF8000  }
0x13: {  	[tilespmem:s17], [sflag:$0x1] =	stream.linear.gather [hbm4b:s4+s2], $0x8000, $0x38;
	[tilespmem:$0x10000] =	vst v63  }
0x14: {  	_ =	swait.ge [sflag:s16], $0x8000  }
0x15: {  	[sflag:s16] =	ssyncset.done $0x0  }
0x16: {  	s19 =	simm.s32 $0x40;
	[sflag:s16] =	ssyncadd.s32 $0xFFFF8000  }
0x17: {  	v7 =	vld [tilespmem:s19+$0x30]  }
0x18: {  	s20 =	simm.s32 $0x8040;
	v0 =	vld [tilespmem:s19+$0xFFFFFFD0]  }
0x19: {  	v6 =	vld [tilespmem:s20+$0x30]  }
0x1a: {  	v5 =	vld [tilespmem:s19+$0xFFFFFFE0]  }
0x1b: {  	v2 =	vld [tilespmem:s19+$0xFFFFFFF0]  }
0x1c: {  	v1 =	vld [tilespmem:s19+$0x0]  }
0x1d: {  	v4 =	vld [tilespmem:s19+$0x10];
	vm0 =	vlt.f32 v7, $0.0e+00;
	vm1 =	vgt.f32 v7, $0.0e+00  }
0x1e: {  	v3 =	vld [tilespmem:s19+$0x20];
	vm2 =	vlt.f32 v0, $0.0e+00;
	vm3 =	vgt.f32 v0, $0.0e+00;
	vm0 =	vmor vm1, vm0  }
0x1f: {  	vm5 =	vmor vm3, vm2;
	v8 =	vnsel vm0, $0x0, v6;
	v6 =	vld [tilespmem:s19+$0xFFFFFFC0]  }
0x20: {  	v12 =	vld [tilespmem:s20+$0xFFFFFFC0];
	vm1 =	vgt.f32 v5, $0.0e+00;
	vm2 =	vgt.f32 v2, $0.0e+00;
	vm0 =	vlt.f32 v5, $0.0e+00  }
0x21: {  	v13 =	vld [tilespmem:s20+$0xFFFFFFD0];
	vm3 =	vgt.f32 v1, $0.0e+00;
	vm0 =	vmor vm1, vm0;
	vm1 =	vlt.f32 v2, $0.0e+00  }
0x22: {  	v11 =	vadd.f32 v8, v7;
	v7 =	vld [tilespmem:s20+$0xFFFFFFE0];
	vm1 =	vmor vm2, vm1;
	vm2 =	vlt.f32 v1, $0.0e+00  }
0x23: {  	vm4 =	vgt.f32 v4, $0.0e+00;
	v8 =	vld [tilespmem:s20+$0xFFFFFFF0];
	vm2 =	vmor vm3, vm2;
	vm3 =	vlt.f32 v4, $0.0e+00  }
0x24: {  	v9 =	vld [tilespmem:s20+$0x0];
	vm3 =	vmor vm4, vm3;
	vm4 =	vlt.f32 v6, $0.0e+00;
	vm6 =	vgt.f32 v6, $0.0e+00  }
0x25: {  	v10 =	vld [tilespmem:s20+$0x10];
	vm7 =	vlt.f32 v3, $0.0e+00;
	vm8 =	vgt.f32 v3, $0.0e+00;
	vm6 =	vmor vm6, vm4  }
0x26: {  	s21 =	simm.s32 $0x0;
	s22 =	simm.s32 $0xC0;
	v13 =	vnsel vm5, $0x0, v13;
	[tilespmem:s19+$0x30] =	vst v11;
	v11 =	vld [tilespmem:s20+$0x20];
	vm4 =	vmor vm8, vm7;
	v12 =	vnsel vm6, $0x0, v12  }
.LBB2_2:
0x27: {  	v14 =	vld [tilespmem:s22+$0x30];
	s21 =	sadd.s32 $0x80, s21;
	v6 =	vadd.f32 v12, v6;
	v12 =	vadd.f32 v13, v0;
	v7 =	vnsel vm0, $0x0, v7  }
0x28: {  	s20 =	sadd.s32 $0x80, s20;
	v0 =	vld [tilespmem:s22+$0xFFFFFFD0];
	p0 =	slt.u32 s21, $0x7F80;
	v7 =	vadd.f32 v7, v5;
	v5 =	vnsel vm1, $0x0, v8  }
0x29: {  	v8 =	vld [tilespmem:s20+$0x30];
	[tilespmem:s19+$0xFFFFFFC0] =	vst v6;
	v6 =	vadd.f32 v5, v2;
	v2 =	vnsel vm2, $0x0, v9  }
0x2a: {  	v5 =	vld [tilespmem:s22+$0xFFFFFFE0];
	[tilespmem:s19+$0xFFFFFFD0] =	vst v12;
	v9 =	vadd.f32 v2, v1;
	v1 =	vnsel vm3, $0x0, v10  }
0x2b: {  	v2 =	vld [tilespmem:s22+$0xFFFFFFF0];
	[tilespmem:s19+$0xFFFFFFE0] =	vst v7;
	v7 =	vadd.f32 v1, v4;
	v4 =	vnsel vm4, $0x0, v11  }
0x2c: {  	v1 =	vld [tilespmem:s22+$0x0];
	vm0 =	vlt.f32 v14, $0.0e+00;
	vm1 =	vgt.f32 v14, $0.0e+00;
	[tilespmem:s19+$0xFFFFFFF0] =	vst v6;
	v10 =	vadd.f32 v4, v3  }
0x2d: {  	vm2 =	vlt.f32 v0, $0.0e+00;
	vm3 =	vgt.f32 v0, $0.0e+00;
	v4 =	vld [tilespmem:s22+$0x10];
	vm0 =	vmor vm1, vm0;
	[tilespmem:s19+$0x0] =	vst v9  }
0x2e: {  	vm5 =	vmor vm3, vm2;
	v3 =	vld [tilespmem:s22+$0x20];
	v8 =	vnsel vm0, $0x0, v8;
	[tilespmem:s19+$0x10] =	vst v7  }
0x2f: {  	v6 =	vld [tilespmem:s22+$0xFFFFFFC0];
	vm0 =	vlt.f32 v5, $0.0e+00;
	vm1 =	vgt.f32 v5, $0.0e+00;
	v7 =	vadd.f32 v8, v14;
	[tilespmem:s19+$0x20] =	vst v10;
	s19 =	smov.u32 s22  }
0x30: {  	v11 =	vld [tilespmem:s20+$0xFFFFFFC0];
	vm0 =	vmor vm1, vm0;
	vm1 =	vlt.f32 v2, $0.0e+00;
	vm2 =	vgt.f32 v2, $0.0e+00  }
0x31: {  	v13 =	vld [tilespmem:s20+$0xFFFFFFD0];
	vm1 =	vmor vm2, vm1;
	vm2 =	vlt.f32 v1, $0.0e+00;
	vm3 =	vgt.f32 v1, $0.0e+00;
	[tilespmem:s22+$0x30] =	vst v7  }
.Ltmp0:
0x32: {  	v7 =	vld [tilespmem:s20+$0xFFFFFFE0];
	vm2 =	vmor vm3, vm2;
	vm3 =	vlt.f32 v4, $0.0e+00;
	vm4 =	vgt.f32 v4, $0.0e+00;
	(pc) =	sbr.rel @p0 .LBB2_2-.Ltmp0, $4  }
0x33: {  	v8 =	vld [tilespmem:s20+$0xFFFFFFF0];
	vm3 =	vmor vm4, vm3;
	vm4 =	vlt.f32 v3, $0.0e+00;
	vm6 =	vgt.f32 v3, $0.0e+00  }
0x34: {  	vm7 =	vlt.f32 v6, $0.0e+00;
	vm8 =	vgt.f32 v6, $0.0e+00;
	v9 =	vld [tilespmem:s20+$0x0];
	vm4 =	vmor vm6, vm4  }
0x35: {  	vm6 =	vmor vm8, vm7;
	v10 =	vld [tilespmem:s20+$0x10]  }
0x36: {  	s22 =	sadd.s32 $0x80, s22;
	v12 =	vnsel vm6, $0x0, v11;
	v13 =	vnsel vm5, $0x0, v13;
	v11 =	vld [tilespmem:s20+$0x20]  }
0x37: {  	v6 =	vadd.f32 v12, v6  }
0x38: {  	v0 =	vadd.f32 v13, v0;
	v7 =	vnsel vm0, $0x0, v7  }
0x39: {  	v5 =	vadd.f32 v7, v5;
	v7 =	vnsel vm1, $0x0, v8;
	[tilespmem:s19+$0xFFFFFFC0] =	vst v6  }
0x3a: {  	v2 =	vadd.f32 v7, v2;
	v6 =	vnsel vm2, $0x0, v9;
	[tilespmem:s19+$0xFFFFFFD0] =	vst v0  }
0x3b: {  	v0 =	vadd.f32 v6, v1;
	v1 =	vnsel vm3, $0x0, v10;
	[tilespmem:s19+$0xFFFFFFE0] =	vst v5  }
0x3c: {  	v1 =	vadd.f32 v1, v4;
	v4 =	vnsel vm4, $0x0, v11;
	[tilespmem:s19+$0xFFFFFFF0] =	vst v2  }
0x3d: {  	v2 =	vadd.f32 v4, v3;
	[tilespmem:s19+$0x0] =	vst v0  }
0x3e: {  	[tilespmem:s19+$0x10] =	vst v1  }
0x3f: {  	[tilespmem:s19+$0x20] =	vst v2  }
0x40: {  	[hbm4b:s5+s2] =	stream.linear.scatter [tilespmem:s2], [sflag:$0x1], $0x8000, $0x38;
	[tilespmem:$0x10000] =	vst v63  }
0x41: {  	_ =	swait.ge [sflag:s16], $0x8000  }
0x42: {  	[sflag:s16] =	ssyncset.done $0x0  }
0x43: {  	[sflag:s16] =	ssyncadd.s32 $0xFFFF8000  }
0x44: {  	[tilespmem:s2], [sflag:$0x1] =	stream.linear.gather [hbm4b:s6+s2], $0x8000, $0x38;
	[tilespmem:$0x10000] =	vst v63  }
0x45: {  	_ =	swait.ge [sflag:s16], $0x8000  }
0x46: {  	[sflag:s16] =	ssyncset.done $0x0  }
0x47: {  	[sflag:s16] =	ssyncadd.s32 $0xFFFF8000  }
0x48: {  	[tilespmem:s17], [sflag:$0x1] =	stream.linear.gather [hbm4b:s7+s2], $0x8000, $0x38;
	[tilespmem:$0x10000] =	vst v63  }
0x49: {  	_ =	swait.ge [sflag:s16], $0x8000  }
0x4a: {  	[sflag:s16] =	ssyncset.done $0x0  }
0x4b: {  	s19 =	simm.s32 $0x40;
	[sflag:s16] =	ssyncadd.s32 $0xFFFF8000  }
0x4c: {  	v7 =	vld [tilespmem:s19+$0x30]  }
0x4d: {  	s20 =	simm.s32 $0x8040;
	v0 =	vld [tilespmem:s19+$0xFFFFFFD0]  }
0x4e: {  	v6 =	vld [tilespmem:s20+$0x30]  }
0x4f: {  	v5 =	vld [tilespmem:s19+$0xFFFFFFE0]  }
0x50: {  	v2 =	vld [tilespmem:s19+$0xFFFFFFF0]  }
0x51: {  	v1 =	vld [tilespmem:s19+$0x0]  }
0x52: {  	v4 =	vld [tilespmem:s19+$0x10];
	vm0 =	vlt.f32 v7, $0.0e+00;
	vm1 =	vgt.f32 v7, $0.0e+00  }
0x53: {  	v3 =	vld [tilespmem:s19+$0x20];
	vm2 =	vlt.f32 v0, $0.0e+00;
	vm3 =	vgt.f32 v0, $0.0e+00;
	vm0 =	vmor vm1, vm0  }
0x54: {  	vm5 =	vmor vm3, vm2;
	v8 =	vnsel vm0, $0x0, v6;
	v6 =	vld [tilespmem:s19+$0xFFFFFFC0]  }
0x55: {  	v12 =	vld [tilespmem:s20+$0xFFFFFFC0];
	vm1 =	vgt.f32 v5, $0.0e+00;
	vm2 =	vgt.f32 v2, $0.0e+00;
	vm0 =	vlt.f32 v5, $0.0e+00  }
0x56: {  	v13 =	vld [tilespmem:s20+$0xFFFFFFD0];
	vm3 =	vgt.f32 v1, $0.0e+00;
	vm0 =	vmor vm1, vm0;
	vm1 =	vlt.f32 v2, $0.0e+00  }
0x57: {  	v11 =	vadd.f32 v8, v7;
	v7 =	vld [tilespmem:s20+$0xFFFFFFE0];
	vm1 =	vmor vm2, vm1;
	vm2 =	vlt.f32 v1, $0.0e+00  }
0x58: {  	vm4 =	vgt.f32 v4, $0.0e+00;
	v8 =	vld [tilespmem:s20+$0xFFFFFFF0];
	vm2 =	vmor vm3, vm2;
	vm3 =	vlt.f32 v4, $0.0e+00  }
0x59: {  	v9 =	vld [tilespmem:s20+$0x0];
	vm3 =	vmor vm4, vm3;
	vm4 =	vlt.f32 v6, $0.0e+00;
	vm6 =	vgt.f32 v6, $0.0e+00  }
0x5a: {  	v10 =	vld [tilespmem:s20+$0x10];
	vm7 =	vlt.f32 v3, $0.0e+00;
	vm8 =	vgt.f32 v3, $0.0e+00;
	vm6 =	vmor vm6, vm4  }
0x5b: {  	s21 =	simm.s32 $0x0;
	s22 =	simm.s32 $0xC0;
	v13 =	vnsel vm5, $0x0, v13;
	[tilespmem:s19+$0x30] =	vst v11;
	v11 =	vld [tilespmem:s20+$0x20];
	vm4 =	vmor vm8, vm7;
	v12 =	vnsel vm6, $0x0, v12  }
.LBB2_4:
0x5c: {  	v14 =	vld [tilespmem:s22+$0x30];
	s21 =	sadd.s32 $0x80, s21;
	v6 =	vadd.f32 v12, v6;
	v12 =	vadd.f32 v13, v0;
	v7 =	vnsel vm0, $0x0, v7  }
0x5d: {  	s20 =	sadd.s32 $0x80, s20;
	v0 =	vld [tilespmem:s22+$0xFFFFFFD0];
	p0 =	slt.u32 s21, $0x7F80;
	v7 =	vadd.f32 v7, v5;
	v5 =	vnsel vm1, $0x0, v8  }
0x5e: {  	v8 =	vld [tilespmem:s20+$0x30];
	[tilespmem:s19+$0xFFFFFFC0] =	vst v6;
	v6 =	vadd.f32 v5, v2;
	v2 =	vnsel vm2, $0x0, v9  }
0x5f: {  	v5 =	vld [tilespmem:s22+$0xFFFFFFE0];
	[tilespmem:s19+$0xFFFFFFD0] =	vst v12;
	v9 =	vadd.f32 v2, v1;
	v1 =	vnsel vm3, $0x0, v10  }
0x60: {  	v2 =	vld [tilespmem:s22+$0xFFFFFFF0];
	[tilespmem:s19+$0xFFFFFFE0] =	vst v7;
	v7 =	vadd.f32 v1, v4;
	v4 =	vnsel vm4, $0x0, v11  }
0x61: {  	v1 =	vld [tilespmem:s22+$0x0];
	vm0 =	vlt.f32 v14, $0.0e+00;
	vm1 =	vgt.f32 v14, $0.0e+00;
	[tilespmem:s19+$0xFFFFFFF0] =	vst v6;
	v10 =	vadd.f32 v4, v3  }
0x62: {  	vm2 =	vlt.f32 v0, $0.0e+00;
	vm3 =	vgt.f32 v0, $0.0e+00;
	v4 =	vld [tilespmem:s22+$0x10];
	vm0 =	vmor vm1, vm0;
	[tilespmem:s19+$0x0] =	vst v9  }
0x63: {  	vm5 =	vmor vm3, vm2;
	v3 =	vld [tilespmem:s22+$0x20];
	v8 =	vnsel vm0, $0x0, v8;
	[tilespmem:s19+$0x10] =	vst v7  }
0x64: {  	v6 =	vld [tilespmem:s22+$0xFFFFFFC0];
	vm0 =	vlt.f32 v5, $0.0e+00;
	vm1 =	vgt.f32 v5, $0.0e+00;
	v7 =	vadd.f32 v8, v14;
	[tilespmem:s19+$0x20] =	vst v10;
	s19 =	smov.u32 s22  }
0x65: {  	v11 =	vld [tilespmem:s20+$0xFFFFFFC0];
	vm0 =	vmor vm1, vm0;
	vm1 =	vlt.f32 v2, $0.0e+00;
	vm2 =	vgt.f32 v2, $0.0e+00  }
0x66: {  	v13 =	vld [tilespmem:s20+$0xFFFFFFD0];
	vm1 =	vmor vm2, vm1;
	vm2 =	vlt.f32 v1, $0.0e+00;
	vm3 =	vgt.f32 v1, $0.0e+00;
	[tilespmem:s22+$0x30] =	vst v7  }
.Ltmp1:
0x67: {  	v7 =	vld [tilespmem:s20+$0xFFFFFFE0];
	vm2 =	vmor vm3, vm2;
	vm3 =	vlt.f32 v4, $0.0e+00;
	vm4 =	vgt.f32 v4, $0.0e+00;
	(pc) =	sbr.rel @p0 .LBB2_4-.Ltmp1, $4  }
0x68: {  	v8 =	vld [tilespmem:s20+$0xFFFFFFF0];
	vm3 =	vmor vm4, vm3;
	vm4 =	vlt.f32 v3, $0.0e+00;
	vm6 =	vgt.f32 v3, $0.0e+00  }
0x69: {  	vm7 =	vlt.f32 v6, $0.0e+00;
	vm8 =	vgt.f32 v6, $0.0e+00;
	v9 =	vld [tilespmem:s20+$0x0];
	vm4 =	vmor vm6, vm4  }
0x6a: {  	vm6 =	vmor vm8, vm7;
	v10 =	vld [tilespmem:s20+$0x10]  }
0x6b: {  	s22 =	sadd.s32 $0x80, s22;
	v12 =	vnsel vm6, $0x0, v11;
	v13 =	vnsel vm5, $0x0, v13;
	v11 =	vld [tilespmem:s20+$0x20]  }
0x6c: {  	v6 =	vadd.f32 v12, v6  }
0x6d: {  	v0 =	vadd.f32 v13, v0;
	v7 =	vnsel vm0, $0x0, v7  }
0x6e: {  	v5 =	vadd.f32 v7, v5;
	v7 =	vnsel vm1, $0x0, v8;
	[tilespmem:s19+$0xFFFFFFC0] =	vst v6  }
0x6f: {  	v2 =	vadd.f32 v7, v2;
	v6 =	vnsel vm2, $0x0, v9;
	[tilespmem:s19+$0xFFFFFFD0] =	vst v0  }
0x70: {  	v0 =	vadd.f32 v6, v1;
	v1 =	vnsel vm3, $0x0, v10;
	[tilespmem:s19+$0xFFFFFFE0] =	vst v5  }
0x71: {  	v1 =	vadd.f32 v1, v4;
	v4 =	vnsel vm4, $0x0, v11;
	[tilespmem:s19+$0xFFFFFFF0] =	vst v2  }
0x72: {  	v2 =	vadd.f32 v4, v3;
	[tilespmem:s19+$0x0] =	vst v0  }
0x73: {  	[tilespmem:s19+$0x10] =	vst v1  }
0x74: {  	[tilespmem:s19+$0x20] =	vst v2  }
0x75: {  	[hbm4b:s8+s2] =	stream.linear.scatter [tilespmem:s2], [sflag:$0x1], $0x8000, $0x38;
	[tilespmem:$0x10000] =	vst v63  }
0x76: {  	_ =	swait.ge [sflag:s16], $0x8000  }
0x77: {  	[sflag:s16] =	ssyncset.done $0x0  }
0x78: {  	[sflag:s16] =	ssyncadd.s32 $0xFFFF8000  }
0x79: {  	[tilespmem:s2], [sflag:$0x1] =	stream.linear.gather [hbm4b:s9+s2], $0x8000, $0x38;
	[tilespmem:$0x10000] =	vst v63  }
0x7a: {  	_ =	swait.ge [sflag:s16], $0x8000  }
0x7b: {  	[sflag:s16] =	ssyncset.done $0x0  }
0x7c: {  	[sflag:s16] =	ssyncadd.s32 $0xFFFF8000  }
0x7d: {  	[tilespmem:s17], [sflag:$0x1] =	stream.linear.gather [hbm4b:s10+s2], $0x8000, $0x38;
	[tilespmem:$0x10000] =	vst v63  }
0x7e: {  	_ =	swait.ge [sflag:s16], $0x8000  }
0x7f: {  	[sflag:s16] =	ssyncset.done $0x0  }
0x80: {  	s19 =	simm.s32 $0x40;
	[sflag:s16] =	ssyncadd.s32 $0xFFFF8000  }
0x81: {  	v7 =	vld [tilespmem:s19+$0x30]  }
0x82: {  	s20 =	simm.s32 $0x8040;
	v0 =	vld [tilespmem:s19+$0xFFFFFFD0]  }
0x83: {  	v6 =	vld [tilespmem:s20+$0x30]  }
0x84: {  	v5 =	vld [tilespmem:s19+$0xFFFFFFE0]  }
0x85: {  	v2 =	vld [tilespmem:s19+$0xFFFFFFF0]  }
0x86: {  	v1 =	vld [tilespmem:s19+$0x0]  }
0x87: {  	v4 =	vld [tilespmem:s19+$0x10];
	vm0 =	vlt.f32 v7, $0.0e+00;
	vm1 =	vgt.f32 v7, $0.0e+00  }
0x88: {  	v3 =	vld [tilespmem:s19+$0x20];
	vm2 =	vlt.f32 v0, $0.0e+00;
	vm3 =	vgt.f32 v0, $0.0e+00;
	vm0 =	vmor vm1, vm0  }
0x89: {  	vm5 =	vmor vm3, vm2;
	v8 =	vnsel vm0, $0x0, v6;
	v6 =	vld [tilespmem:s19+$0xFFFFFFC0]  }
0x8a: {  	v12 =	vld [tilespmem:s20+$0xFFFFFFC0];
	vm1 =	vgt.f32 v5, $0.0e+00;
	vm2 =	vgt.f32 v2, $0.0e+00;
	vm0 =	vlt.f32 v5, $0.0e+00  }
0x8b: {  	v13 =	vld [tilespmem:s20+$0xFFFFFFD0];
	vm3 =	vgt.f32 v1, $0.0e+00;
	vm0 =	vmor vm1, vm0;
	vm1 =	vlt.f32 v2, $0.0e+00  }
0x8c: {  	v11 =	vadd.f32 v8, v7;
	v7 =	vld [tilespmem:s20+$0xFFFFFFE0];
	vm1 =	vmor vm2, vm1;
	vm2 =	vlt.f32 v1, $0.0e+00  }
0x8d: {  	vm4 =	vgt.f32 v4, $0.0e+00;
	v8 =	vld [tilespmem:s20+$0xFFFFFFF0];
	vm2 =	vmor vm3, vm2;
	vm3 =	vlt.f32 v4, $0.0e+00  }
0x8e: {  	v9 =	vld [tilespmem:s20+$0x0];
	vm3 =	vmor vm4, vm3;
	vm4 =	vlt.f32 v6, $0.0e+00;
	vm6 =	vgt.f32 v6, $0.0e+00  }
0x8f: {  	v10 =	vld [tilespmem:s20+$0x10];
	vm7 =	vlt.f32 v3, $0.0e+00;
	vm8 =	vgt.f32 v3, $0.0e+00;
	vm6 =	vmor vm6, vm4  }
0x90: {  	s21 =	simm.s32 $0x0;
	s22 =	simm.s32 $0xC0;
	v13 =	vnsel vm5, $0x0, v13;
	[tilespmem:s19+$0x30] =	vst v11;
	v11 =	vld [tilespmem:s20+$0x20];
	vm4 =	vmor vm8, vm7;
	v12 =	vnsel vm6, $0x0, v12  }
.LBB2_6:
0x91: {  	v14 =	vld [tilespmem:s22+$0x30];
	s21 =	sadd.s32 $0x80, s21;
	v6 =	vadd.f32 v12, v6;
	v12 =	vadd.f32 v13, v0;
	v7 =	vnsel vm0, $0x0, v7  }
0x92: {  	s20 =	sadd.s32 $0x80, s20;
	v0 =	vld [tilespmem:s22+$0xFFFFFFD0];
	p0 =	slt.u32 s21, $0x7F80;
	v7 =	vadd.f32 v7, v5;
	v5 =	vnsel vm1, $0x0, v8  }
0x93: {  	v8 =	vld [tilespmem:s20+$0x30];
	[tilespmem:s19+$0xFFFFFFC0] =	vst v6;
	v6 =	vadd.f32 v5, v2;
	v2 =	vnsel vm2, $0x0, v9  }
0x94: {  	v5 =	vld [tilespmem:s22+$0xFFFFFFE0];
	[tilespmem:s19+$0xFFFFFFD0] =	vst v12;
	v9 =	vadd.f32 v2, v1;
	v1 =	vnsel vm3, $0x0, v10  }
0x95: {  	v2 =	vld [tilespmem:s22+$0xFFFFFFF0];
	[tilespmem:s19+$0xFFFFFFE0] =	vst v7;
	v7 =	vadd.f32 v1, v4;
	v4 =	vnsel vm4, $0x0, v11  }
0x96: {  	v1 =	vld [tilespmem:s22+$0x0];
	vm0 =	vlt.f32 v14, $0.0e+00;
	vm1 =	vgt.f32 v14, $0.0e+00;
	[tilespmem:s19+$0xFFFFFFF0] =	vst v6;
	v10 =	vadd.f32 v4, v3  }
0x97: {  	vm2 =	vlt.f32 v0, $0.0e+00;
	vm3 =	vgt.f32 v0, $0.0e+00;
	v4 =	vld [tilespmem:s22+$0x10];
	vm0 =	vmor vm1, vm0;
	[tilespmem:s19+$0x0] =	vst v9  }
0x98: {  	vm5 =	vmor vm3, vm2;
	v3 =	vld [tilespmem:s22+$0x20];
	v8 =	vnsel vm0, $0x0, v8;
	[tilespmem:s19+$0x10] =	vst v7  }
0x99: {  	v6 =	vld [tilespmem:s22+$0xFFFFFFC0];
	vm0 =	vlt.f32 v5, $0.0e+00;
	vm1 =	vgt.f32 v5, $0.0e+00;
	v7 =	vadd.f32 v8, v14;
	[tilespmem:s19+$0x20] =	vst v10;
	s19 =	smov.u32 s22  }
0x9a: {  	v11 =	vld [tilespmem:s20+$0xFFFFFFC0];
	vm0 =	vmor vm1, vm0;
	vm1 =	vlt.f32 v2, $0.0e+00;
	vm2 =	vgt.f32 v2, $0.0e+00  }
0x9b: {  	v13 =	vld [tilespmem:s20+$0xFFFFFFD0];
	vm1 =	vmor vm2, vm1;
	vm2 =	vlt.f32 v1, $0.0e+00;
	vm3 =	vgt.f32 v1, $0.0e+00;
	[tilespmem:s22+$0x30] =	vst v7  }
.Ltmp2:
0x9c: {  	v7 =	vld [tilespmem:s20+$0xFFFFFFE0];
	vm2 =	vmor vm3, vm2;
	vm3 =	vlt.f32 v4, $0.0e+00;
	vm4 =	vgt.f32 v4, $0.0e+00;
	(pc) =	sbr.rel @p0 .LBB2_6-.Ltmp2, $4  }
0x9d: {  	v8 =	vld [tilespmem:s20+$0xFFFFFFF0];
	vm3 =	vmor vm4, vm3;
	vm4 =	vlt.f32 v3, $0.0e+00;
	vm6 =	vgt.f32 v3, $0.0e+00  }
0x9e: {  	vm7 =	vlt.f32 v6, $0.0e+00;
	vm8 =	vgt.f32 v6, $0.0e+00;
	v9 =	vld [tilespmem:s20+$0x0];
	vm4 =	vmor vm6, vm4  }
0x9f: {  	vm6 =	vmor vm8, vm7;
	v10 =	vld [tilespmem:s20+$0x10]  }
0xa0: {  	s22 =	sadd.s32 $0x80, s22;
	v12 =	vnsel vm6, $0x0, v11;
	v13 =	vnsel vm5, $0x0, v13;
	v11 =	vld [tilespmem:s20+$0x20]  }
0xa1: {  	v6 =	vadd.f32 v12, v6  }
0xa2: {  	v0 =	vadd.f32 v13, v0;
	v7 =	vnsel vm0, $0x0, v7  }
0xa3: {  	v5 =	vadd.f32 v7, v5;
	v7 =	vnsel vm1, $0x0, v8;
	[tilespmem:s19+$0xFFFFFFC0] =	vst v6  }
0xa4: {  	v2 =	vadd.f32 v7, v2;
	v6 =	vnsel vm2, $0x0, v9;
	[tilespmem:s19+$0xFFFFFFD0] =	vst v0  }
0xa5: {  	v0 =	vadd.f32 v6, v1;
	v1 =	vnsel vm3, $0x0, v10;
	[tilespmem:s19+$0xFFFFFFE0] =	vst v5  }
0xa6: {  	v1 =	vadd.f32 v1, v4;
	v4 =	vnsel vm4, $0x0, v11;
	[tilespmem:s19+$0xFFFFFFF0] =	vst v2  }
0xa7: {  	v2 =	vadd.f32 v4, v3;
	[tilespmem:s19+$0x0] =	vst v0  }
0xa8: {  	[tilespmem:s19+$0x10] =	vst v1  }
0xa9: {  	[tilespmem:s19+$0x20] =	vst v2  }
0xaa: {  	[hbm4b:s11+s2] =	stream.linear.scatter [tilespmem:s2], [sflag:$0x1], $0x8000, $0x38;
	[tilespmem:$0x10000] =	vst v63  }
0xab: {  	_ =	swait.ge [sflag:s16], $0x8000  }
0xac: {  	[sflag:s16] =	ssyncset.done $0x0  }
0xad: {  	[sflag:s16] =	ssyncadd.s32 $0xFFFF8000  }
0xae: {  	[tilespmem:s2], [sflag:$0x1] =	stream.linear.gather [hbm4b:s12+s2], $0x8000, $0x38;
	[tilespmem:$0x10000] =	vst v63  }
0xaf: {  	_ =	swait.ge [sflag:s16], $0x8000  }
0xb0: {  	[sflag:s16] =	ssyncset.done $0x0  }
0xb1: {  	[sflag:s16] =	ssyncadd.s32 $0xFFFF8000  }
0xb2: {  	[tilespmem:s17], [sflag:$0x1] =	stream.linear.gather [hbm4b:s13+s2], $0x8000, $0x38;
	[tilespmem:$0x10000] =	vst v63  }
0xb3: {  	_ =	swait.ge [sflag:s16], $0x8000  }
0xb4: {  	[sflag:s16] =	ssyncset.done $0x0  }
0xb5: {  	s19 =	simm.s32 $0x40;
	[sflag:s16] =	ssyncadd.s32 $0xFFFF8000  }
0xb6: {  	v7 =	vld [tilespmem:s19+$0x30]  }
0xb7: {  	s20 =	simm.s32 $0x8040;
	v0 =	vld [tilespmem:s19+$0xFFFFFFD0]  }
0xb8: {  	v6 =	vld [tilespmem:s20+$0x30]  }
0xb9: {  	v5 =	vld [tilespmem:s19+$0xFFFFFFE0]  }
0xba: {  	v2 =	vld [tilespmem:s19+$0xFFFFFFF0]  }
0xbb: {  	v1 =	vld [tilespmem:s19+$0x0]  }
0xbc: {  	v4 =	vld [tilespmem:s19+$0x10];
	vm0 =	vlt.f32 v7, $0.0e+00;
	vm1 =	vgt.f32 v7, $0.0e+00  }
0xbd: {  	v3 =	vld [tilespmem:s19+$0x20];
	vm2 =	vlt.f32 v0, $0.0e+00;
	vm3 =	vgt.f32 v0, $0.0e+00;
	vm0 =	vmor vm1, vm0  }
0xbe: {  	vm5 =	vmor vm3, vm2;
	v8 =	vnsel vm0, $0x0, v6;
	v6 =	vld [tilespmem:s19+$0xFFFFFFC0]  }
0xbf: {  	v12 =	vld [tilespmem:s20+$0xFFFFFFC0];
	vm1 =	vgt.f32 v5, $0.0e+00;
	vm2 =	vgt.f32 v2, $0.0e+00;
	vm0 =	vlt.f32 v5, $0.0e+00  }
0xc0: {  	v13 =	vld [tilespmem:s20+$0xFFFFFFD0];
	vm3 =	vgt.f32 v1, $0.0e+00;
	vm0 =	vmor vm1, vm0;
	vm1 =	vlt.f32 v2, $0.0e+00  }
0xc1: {  	v11 =	vadd.f32 v8, v7;
	v7 =	vld [tilespmem:s20+$0xFFFFFFE0];
	vm1 =	vmor vm2, vm1;
	vm2 =	vlt.f32 v1, $0.0e+00  }
0xc2: {  	vm4 =	vgt.f32 v4, $0.0e+00;
	v8 =	vld [tilespmem:s20+$0xFFFFFFF0];
	vm2 =	vmor vm3, vm2;
	vm3 =	vlt.f32 v4, $0.0e+00  }
0xc3: {  	v9 =	vld [tilespmem:s20+$0x0];
	vm3 =	vmor vm4, vm3;
	vm4 =	vlt.f32 v6, $0.0e+00;
	vm6 =	vgt.f32 v6, $0.0e+00  }
0xc4: {  	v10 =	vld [tilespmem:s20+$0x10];
	vm7 =	vlt.f32 v3, $0.0e+00;
	vm8 =	vgt.f32 v3, $0.0e+00;
	vm6 =	vmor vm6, vm4  }
0xc5: {  	s21 =	simm.s32 $0x0;
	s22 =	simm.s32 $0xC0;
	v13 =	vnsel vm5, $0x0, v13;
	[tilespmem:s19+$0x30] =	vst v11;
	v11 =	vld [tilespmem:s20+$0x20];
	vm4 =	vmor vm8, vm7;
	v12 =	vnsel vm6, $0x0, v12  }
.LBB2_8:
0xc6: {  	v14 =	vld [tilespmem:s22+$0x30];
	s21 =	sadd.s32 $0x80, s21;
	v6 =	vadd.f32 v12, v6;
	v12 =	vadd.f32 v13, v0;
	v7 =	vnsel vm0, $0x0, v7  }
0xc7: {  	s20 =	sadd.s32 $0x80, s20;
	v0 =	vld [tilespmem:s22+$0xFFFFFFD0];
	p0 =	slt.u32 s21, $0x7F80;
	v7 =	vadd.f32 v7, v5;
	v5 =	vnsel vm1, $0x0, v8  }
0xc8: {  	v8 =	vld [tilespmem:s20+$0x30];
	[tilespmem:s19+$0xFFFFFFC0] =	vst v6;
	v6 =	vadd.f32 v5, v2;
	v2 =	vnsel vm2, $0x0, v9  }
0xc9: {  	v5 =	vld [tilespmem:s22+$0xFFFFFFE0];
	[tilespmem:s19+$0xFFFFFFD0] =	vst v12;
	v9 =	vadd.f32 v2, v1;
	v1 =	vnsel vm3, $0x0, v10  }
0xca: {  	v2 =	vld [tilespmem:s22+$0xFFFFFFF0];
	[tilespmem:s19+$0xFFFFFFE0] =	vst v7;
	v7 =	vadd.f32 v1, v4;
	v4 =	vnsel vm4, $0x0, v11  }
0xcb: {  	v1 =	vld [tilespmem:s22+$0x0];
	vm0 =	vlt.f32 v14, $0.0e+00;
	vm1 =	vgt.f32 v14, $0.0e+00;
	[tilespmem:s19+$0xFFFFFFF0] =	vst v6;
	v10 =	vadd.f32 v4, v3  }
0xcc: {  	vm2 =	vlt.f32 v0, $0.0e+00;
	vm3 =	vgt.f32 v0, $0.0e+00;
	v4 =	vld [tilespmem:s22+$0x10];
	vm0 =	vmor vm1, vm0;
	[tilespmem:s19+$0x0] =	vst v9  }
0xcd: {  	vm5 =	vmor vm3, vm2;
	v3 =	vld [tilespmem:s22+$0x20];
	v8 =	vnsel vm0, $0x0, v8;
	[tilespmem:s19+$0x10] =	vst v7  }
0xce: {  	v6 =	vld [tilespmem:s22+$0xFFFFFFC0];
	vm0 =	vlt.f32 v5, $0.0e+00;
	vm1 =	vgt.f32 v5, $0.0e+00;
	v7 =	vadd.f32 v8, v14;
	[tilespmem:s19+$0x20] =	vst v10;
	s19 =	smov.u32 s22  }
0xcf: {  	v11 =	vld [tilespmem:s20+$0xFFFFFFC0];
	vm0 =	vmor vm1, vm0;
	vm1 =	vlt.f32 v2, $0.0e+00;
	vm2 =	vgt.f32 v2, $0.0e+00  }
0xd0: {  	v13 =	vld [tilespmem:s20+$0xFFFFFFD0];
	vm1 =	vmor vm2, vm1;
	vm2 =	vlt.f32 v1, $0.0e+00;
	vm3 =	vgt.f32 v1, $0.0e+00;
	[tilespmem:s22+$0x30] =	vst v7  }
.Ltmp3:
0xd1: {  	v7 =	vld [tilespmem:s20+$0xFFFFFFE0];
	vm2 =	vmor vm3, vm2;
	vm3 =	vlt.f32 v4, $0.0e+00;
	vm4 =	vgt.f32 v4, $0.0e+00;
	(pc) =	sbr.rel @p0 .LBB2_8-.Ltmp3, $4  }
0xd2: {  	v8 =	vld [tilespmem:s20+$0xFFFFFFF0];
	vm3 =	vmor vm4, vm3;
	vm4 =	vlt.f32 v3, $0.0e+00;
	vm6 =	vgt.f32 v3, $0.0e+00  }
0xd3: {  	vm7 =	vlt.f32 v6, $0.0e+00;
	vm8 =	vgt.f32 v6, $0.0e+00;
	v9 =	vld [tilespmem:s20+$0x0];
	vm4 =	vmor vm6, vm4  }
0xd4: {  	vm6 =	vmor vm8, vm7;
	v10 =	vld [tilespmem:s20+$0x10]  }
0xd5: {  	s22 =	sadd.s32 $0x80, s22;
	v12 =	vnsel vm6, $0x0, v11;
	v13 =	vnsel vm5, $0x0, v13;
	v11 =	vld [tilespmem:s20+$0x20]  }
0xd6: {  	v6 =	vadd.f32 v12, v6  }
0xd7: {  	v0 =	vadd.f32 v13, v0;
	v7 =	vnsel vm0, $0x0, v7  }
0xd8: {  	v5 =	vadd.f32 v7, v5;
	v58 =	vnsel vm1, $0x0, v8;
	[tilespmem:s19+$0xFFFFFFC0] =	vst v6  }
0xd9: {  	v2 =	vadd.f32 v58, v2;
	v59 =	vnsel vm2, $0x0, v9;
	[tilespmem:s19+$0xFFFFFFD0] =	vst v0  }
0xda: {  	v60 =	vadd.f32 v59, v1;
	v61 =	vnsel vm3, $0x0, v10;
	[tilespmem:s19+$0xFFFFFFE0] =	vst v5  }
0xdb: {  	v1 =	vadd.f32 v61, v4;
	v62 =	vnsel vm4, $0x0, v11;
	[tilespmem:s19+$0xFFFFFFF0] =	vst v2  }
0xdc: {  	s18 =	sadd.s32 $0x1, s18;
	v63 =	vadd.f32 v62, v3;
	[tilespmem:s19+$0x0] =	vst v60  }
0xdd: {  	p0 =	sne.s32 s18, s15;
	[tilespmem:s19+$0x10] =	vst v1  }
.Ltmp4:
0xde: {  	[tilespmem:s19+$0x20] =	vst v63;
	(pc) =	sbr.rel @p0 .LBB2_1-.Ltmp4, $4  }
0xdf: {  	[hbm4b:s14+s2] =	stream.linear.scatter [tilespmem:s2], [sflag:$0x1], $0x8000, $0x38;
	[tilespmem:$0x10000] =	vst v63  }
0xe0: {  	_ =	swait.ge [sflag:s16], $0x8000  }
0xe1: {  	[sflag:s16] =	ssyncset.done $0x0  }
0xe2: {  	[sflag:s16] =	ssyncadd.s32 $0xFFFF8000  }
0xe3: {  	_ =	sfence.sel $0x180000  }
0xe4: {  	[bflag:$0x0] =	sbarrier.arrive $0xFFFF  }
0xe5: {  	p0 =	sne.s32 s1, $0x0;
	_ =	strace $0x9000004A  }
0xe6: {  	s0 =	sadd.s32 @!p0 $0x100000, s0;
	[bflag:$0x2] =	sbarrier.arrive $0xFFFF  }
0xe7: {  	[sflag:s0] =	ssyncadd.tile.s32 @!p0 $0x1;
	_ =	shalt  }
.Lfunc_end2:
_tile_overlayer_lowered:
.L_overlay_start_2:
0xe8: {  	(tag) =	ssettag $0x2  }
0xe9: {  	s0 =	rddreg [dreg:$0x0];
	s2 =	stileid.u32  }
0xea: {  	s1 =	rddreg [dreg:$0x1];
	p0 =	sne.s32 s2, $0x0  }
0xeb: {  	s3 =	rddreg [dreg:$0x2];
	[bflag:$0x3] =	sbarrier.arrive $0xFFFF;
	s2 =	simm.s32 @!p0 $0x1C01  }
0xec: {  	[timem:s3], [sflag:s2] =	dma.local @!p0 [hbm:s0], s1  }
0xed: {  	s0 =	simm.s32 @!p0 $0x1  }
0xee: {  	_ =	swait.ge @!p0 [sflag:s0], s1  }
0xef: {  	s1 =	ssub.s32 @!p0 $0x0, s1;
	[sflag:s0] =	ssyncset.done @!p0 $0x0  }
0xf0: {  	[sflag:s0] =	ssyncadd.s32 @!p0 s1  }
0xf1: {  	[bflag:$0x3] =	sbarrier.arrive $0xFFFF  }
0xf2: {  	_ =	shalt  }

// kernel: sparse-core-data-format-call.cloned.1.call-start
scs
called_computation_lowered:
.L_overlay_start_0:
0x0: {  	s2 =	sld [smem:$0x3FD9]  }
0x1: {  	s3 =	sld [smem:$0x3FFE];
	_ =	sdelay $0x1  }
0x2: {  	s1 =	srdreg.scid  }
0x3: {  	s0 =	sand.u32 $0x1, s1  }
0x4: {  	s19 =	sshll.u32 s0, $0xA;
	s2 =	sadd.s32 s3, s2  }
0x5: {  	s2 =	sadd.s32 s2, s19  }
0x6: {  	[smem:$0x3FC6] =	sst s2  }
0x7: {  	_ = 	snop  }
0x8: {  	s2 =	sld [smem:$0x3FC9]  }
0x9: {  	s20 =	sld [smem:$0x3FD0];
	(tm) =	ssettm $0x1  }
0xa: {  	s4 =	sld [smem:$0x3FFB];
	_ =	sdelay $0x3  }
0xb: {  	_ =	strace s4  }
0xc: {  	s4 =	sld [smem:$0x3FFC];
	_ =	sdelay $0x3  }
0xd: {  	_ =	strace s4  }
0xe: {  	s4 =	sld [smem:$0x3FFD];
	_ =	sdelay $0x3  }
0xf: {  	_ =	strace s4  }
0x10: {  	_ =	strace $0x8FFFFFFF  }
0x11: {  	s21 =	sld [smem:$0x3FDB];
	_ =	sdelay $0x1  }
0x12: {  	s5 =	simm.s32 $_scs_section_size  }
0x13: {  	s6 =	simm.s32 $_size__tile_overlayer_lowered;
	s7 =	simm.s32 $_tile_overlayer_lowered  }
0x14: {  	s24 =	simm.s32 $0x1BFF;
	s23 =	sshll.u32 s7, $0x1;
	s4 =	sadd.s32 s5, s21  }
0x15: {  	s8 =	simm.s32 $0x0;
	s22 =	sshll.u32 s6, $0x1;
	s6 =	sadd.s32 s23, s4  }
0x16: {  	[timem:s8], [sflag:s24] =	dma.local [hbm:s6], s22  }
0x17: {  	_ =	swait.ge [sflag:s24], s22  }
0x18: {  	s5 =	ssub.s32 $0x0, s22;
	[sflag:s24] =	ssyncset.done $0x0  }
0x19: {  	[sflag:s24] =	ssyncadd.s32 s5;
	_ =	sdelay $0x1  }
0x1a: {  	s25 =	simm.s32 $0x1B8B  }
0x1b: {  	_ =	swait.ge [sflag:s25], $0x1  }
0x1c: {  	[sflag:s25] =	ssyncset.done $0x0  }
0x1d: {  	s26 =	simm.s32 $0x1B8E;
	[sflag:s25] =	ssyncadd.s32 $0xFFFFFFFF  }
0x1e: {  	s27 =	simm.s32 $execute0_lowered;
	[smem:$0x3FD2] =	sst s26  }
0x1f: {  	s5 =	sshll.u32 s27, $0x1;
	_ =	strace $0x80000046;
	[dreg:$0x1] =	wrdreg $0xFFFFFFFF  }
0x20: {  	s28 =	simm.s32 $_size_execute0_lowered;
	s4 =	sadd.s32 s4, s5;
	[dreg:$0x0] =	wrdreg $0x0  }
0x21: {  	s5 =	sshll.u32 s28, $0x1;
	[dreg:$0x2] =	wrdreg s4  }
0x22: {  	[dreg:$0x3] =	wrdreg s5  }
0x23: {  	[dreg:$0x4] =	wrdreg $0xC0  }
0x24: {  	_ =	task [dreg:s8], $0x5FFFF  }
0x25: {  	[dreg:$0x1] =	wrdreg $0xFFFFFFFF  }
0x26: {  	[dreg:$0x0] =	wrdreg $0x60  }
0x27: {  	[dreg:$0x2] =	wrdreg s2  }
0x28: {  	[dreg:$0x3] =	wrdreg s20  }
0x29: {  	[dreg:$0x4] =	wrdreg $0x9  }
0x2a: {  	_ =	task.clear_ibuf [dreg:s8], $0x5FFFF;
	_ =	strace $0x90000046  }
0x2b: {  	s29 =	simm.s32 $0x9;
	_ =	strace $0x80000048  }
0x2c: {  	_ =	swait.ge [sflag:s29], $0x1  }
0x2d: {  	[sflag:s29] =	ssyncadd.s32 $0xFFFFFFFF  }
0x2e: {  	_ =	strace $0x90000048  }
0x2f: {  	_ =	sfence  }
0x30: {  	s30 =	sld [smem:$0x0];
	_ =	sdelay $0x2  }
0x31: {  	s31 =	sshll.u32 s1, $0xD;
	s1 =	sshrl.u32 s1, $0x2  }
0x32: {  	s3 =	sand.u32 $0x4000, s31;
	s1 =	sadd.s32 s1, s30  }
0x33: {  	s0 =	sor.u32 s3, s0;
	s1 =	sshll.u32 s1, $0x11  }
0x34: {  	s0 =	sor.u32 s1, s0  }
0x35: {  	s0 =	sadd.s32 $0x8F2B, s0  }
0x36: {  	[sflag:s0] =	ssyncadd.remote.s32 $0x1  }
0x37: {  	_ =	sfence.sel $0xFFFF  }
0x38: {  	[dreg:$0x0] =	wrdreg $0xFFFFFFFF;
	(pc) =	sbr.abs _section_cstart, $3  }
0x39: {  	[dreg:$0x1] =	wrdreg $0xFFFFFFFF  }
0x3a: {  	_ =	task.clear_ibuf [dreg:s8], $0x2FFFF;
	_ =	strace $0x9FFFFFFF  }
0x3b: {  	(tm) =	ssettm $0x7FFFFFFF  }
tec
execute0_lowered:
.L_overlay_start_1:
0x0: {  	(tag) =	ssettag $0x1  }
0x1: {  	s0 =	srdreg.scid  }
0x2: {  	s1 =	sshll.u32 s0, $0x4  }
0x3: {  	s2 =	rddreg [dreg:$0x0];
	s0 =	stileid.u32;
	s1 =	sand.u32 $0x10, s1  }
0x4: {  	s4 =	rddreg [dreg:$0x1];
	s1 =	sor.u32 s0, s1  }
0x5: {  	s7 =	simm.s32 $0x1;
	s8 =	simm.s32 $0x2;
	s3 =	sshll.u32 s1, $0x1  }
0x6: {  	s9 =	simm.s32 $0x0;
	s12 =	simm.s32 $0x0;
	s6 =	ssub.s32 $0x800, s3  }
.Ltmp0:
0x7: {  	s11 =	simm.s32 $0x0;
	s5 =	sand.u32 $0x3E, s6;
	(pc) =	sbr.rel .LBB1_1-.Ltmp0, $4  }
0x8: {  	s1 =	rddreg [dreg:$0x2];
	_ =	strace $0x80000047;
	p0 =	sne.s32 s5, $0x0  }
0x9: {  	s6 =	sshrl.u32 s6, $0x6;
	s5 =	simm.s32 $0x1;
	s7 =	simm.s32 @!p0 $0x0  }
0xa: {  	s10 =	smov.u32 s3;
	[sflag:s5] =	ssyncpa.u1 $0x0;
	s6 =	sadd.s32 s7, s6  }
0xb: {  	[sflag:s8] =	ssyncpa.u1 $0x0;
	s8 =	simm.s32 $0x0;
	s7 =	sadd.s32 $0x1, s6  }
.LBB1_9:
0xc: {  	s14 =	sadd.s32 $0x40, s10  }
0xd: {  	p1 =	sgt.s32 s14, $0x7FF  }
0xe: {  	s14 =	smov.u32 @p1 s3;
	p1 =	sne.s32 s11, s7  }
.Ltmp1:
0xf: {  	p0 =	slt.u32 s11, $0x2;
	(pc) =	sbr.rel @!p1 .LBB1_10-.Ltmp1, $4  }
0x10: {  	s13 =	simm.s32 @!p0 $0x2  }
0x11: {  	s15 =	sadd.s32 $0x1, s11;
	_ =	swait.ge @!p0 [sflag:s13], $0x4000  }
0x12: {  	s12 =	smov.u32 s10;
	s9 =	sadd.s32 $0x4000, s9;
	[sflag:s13] =	ssyncset.done @!p0 $0x0  }
0x13: {  	s11 =	smov.u32 s15;
	s10 =	smov.u32 s14;
	[sflag:s13] =	ssyncadd.s32 @!p0 $0xFFFFC000  }
.LBB1_1:
0x14: {  	p0 =	sge.u32 s11, s6  }
0x15: {  	s13 =	sxor.u32 @!p0 $0xFFFFFFFF, s11  }
0x16: {  	s31 =	sadd.s32 $0xFFFFFFFF, s11;
	s14 =	sshll.u32 @!p0 s10, $0xA;
	s13 =	sshll.u32 @!p0 s13, $0xE  }
0x17: {  	s15 =	simm.s32 @!p0 $0x0;
	s14 =	sadd.s32 @!p0 s2, s14;
	s13 =	sand.u32 @!p0 $0x4000, s13  }
0x18: {  	[tilespmem:s13], [sflag:$0x1] =	stream.linear.gather @!p0 [hbm4b:s14+s15], $0x4000, $0x38;
	[tilespmem:$0x10000] =	vst v63  }
0x19: {  	p0 =	sge.u32 s31, s6  }
.Ltmp2:
0x1a: {  	_ = 	snop;
	(pc) =	sbr.rel @p0 .LBB1_9-.Ltmp2, $1  }
0x1b: {  	_ =	sdelay $0x3  }
0x1c: {  	s13 =	sshll.u32 s9, $0x2  }
0x1d: {  	_ =	swait.ge [sflag:s5], $0x4000;
	s14 =	sshll.u32 s11, $0xE;
	s16 =	simm.s32 $0x0  }
0x1e: {  	p1 =	por $0x1, $0x1;
	s13 =	sand.u32 $0x10000, s13;
	[sflag:s5] =	ssyncset.done $0x0  }
0x1f: {  	s14 =	sand.u32 $0x4000, s14;
	s15 =	sshrl.u32 s13, $0x2;
	[sflag:s5] =	ssyncadd.s32 $0xFFFFC000  }
0x20: {  	s13 =	sor.u32 $0x8000, s14;
	s14 =	sadd.s32 $0x8040, s15;
	s15 =	sadd.s32 $0x40, s15  }
.LBB1_3:
0x21: {  	s16 =	sshll.u32 s16, $0x2  }
0x22: {  	p0 =	por p1, p1;
	s17 =	sshra.s32 s16, $0x2  }
0x23: {  	s18 =	simm.s32 $0x0;
	s16 =	sadd.s32 s17, s14;
	s17 =	sadd.s32 s17, s15  }
.LBB1_4:
0x24: {  	v0 =	vmov s17;
	_ =	sdelay $0x3  }
0x25: {  	s20 =	simm.s32 $0x0  }
0x26: {  	v6 =	vld.idx.msk [tilespmem:v0+s20+$0x30 ss:$0x1], $0xffff  }
0x27: {  	v7 =	vld.idx.msk [tilespmem:v0+s20+$0xFFFFFFC0 ss:$0x1], $0xffff  }
0x28: {  	v5 =	vld.idx.msk [tilespmem:v0+s20+$0xFFFFFFD0 ss:$0x1], $0xffff  }
0x29: {  	v4 =	vld.idx.msk [tilespmem:v0+s20+$0xFFFFFFE0 ss:$0x1], $0xffff  }
0x2a: {  	v3 =	vld.idx.msk [tilespmem:v0+s20+$0xFFFFFFF0 ss:$0x1], $0xffff  }
0x2b: {  	v1 =	vld.idx.msk [tilespmem:v0+s20+$0x0 ss:$0x1], $0xffff  }
0x2c: {  	v2 =	vld.idx.msk [tilespmem:v0+s20+$0x10 ss:$0x1], $0xffff;
	[tilespmem:s16+$0x30] =	vst v6  }
0x2d: {  	s19 =	simm.s32 $0x80;
	s21 =	simm.s32 $0x400;
	[tilespmem:s16+$0xFFFFFFC0] =	vst v7;
	v6 =	vld.idx.msk [tilespmem:v0+s20+$0x20 ss:$0x1], $0xffff;
	s20 =	smov.u32 s16  }
.LBB1_5:
0x2e: {  	p1 =	sne.s32 s21, $0xE00;
	v7 =	vld.idx.msk [tilespmem:v0+s19+$0x30 ss:$0x1], $0xffff;
	[tilespmem:s20+$0xFFFFFFD0] =	vst v5  }
0x2f: {  	v8 =	vld.idx.msk [tilespmem:v0+s19+$0xFFFFFFC0 ss:$0x1], $0xffff;
	[tilespmem:s20+$0xFFFFFFE0] =	vst v4  }
0x30: {  	v5 =	vld.idx.msk [tilespmem:v0+s19+$0xFFFFFFD0 ss:$0x1], $0xffff;
	[tilespmem:s20+$0xFFFFFFF0] =	vst v3  }
.Ltmp3:
0x31: {  	v4 =	vld.idx.msk [tilespmem:v0+s19+$0xFFFFFFE0 ss:$0x1], $0xffff;
	[tilespmem:s20+$0x0] =	vst v1;
	(pc) =	sbr.rel @p1 .LBB1_5-.Ltmp3, $4  }
0x32: {  	v3 =	vld.idx.msk [tilespmem:v0+s19+$0xFFFFFFF0 ss:$0x1], $0xffff;
	[tilespmem:s20+$0x10] =	vst v2  }
0x33: {  	v1 =	vld.idx.msk [tilespmem:v0+s19+$0x0 ss:$0x1], $0xffff;
	[tilespmem:s20+$0x20] =	vst v6;
	s20 =	sadd.s32 $0x400, s20  }
0x34: {  	v2 =	vld.idx.msk [tilespmem:v0+s19+$0x10 ss:$0x1], $0xffff;
	[tilespmem:s20+$0x30] =	vst v7  }
0x35: {  	[tilespmem:s20+$0xFFFFFFC0] =	vst v8;
	v6 =	vld.idx.msk [tilespmem:v0+s19+$0x20 ss:$0x1], $0xffff;
	s19 =	sshra.s32 s21, $0x2;
	s21 =	sadd.s32 $0x200, s21  }
0x36: {  	_ =	sdelay $0x2  }
0x37: {  	[tilespmem:s20+$0xFFFFFFD0] =	vst v5  }
0x38: {  	v56 =	vld.idx.msk [tilespmem:v0+s19+$0x30 ss:$0x1], $0xffff;
	[tilespmem:s20+$0xFFFFFFE0] =	vst v4  }
0x39: {  	v57 =	vld.idx.msk [tilespmem:v0+s19+$0xFFFFFFC0 ss:$0x1], $0xffff;
	[tilespmem:s20+$0xFFFFFFF0] =	vst v3  }
0x3a: {  	v58 =	vld.idx.msk [tilespmem:v0+s19+$0xFFFFFFD0 ss:$0x1], $0xffff;
	[tilespmem:s20+$0x0] =	vst v1  }
0x3b: {  	v59 =	vld.idx.msk [tilespmem:v0+s19+$0xFFFFFFE0 ss:$0x1], $0xffff;
	[tilespmem:s20+$0x10] =	vst v2  }
0x3c: {  	v60 =	vld.idx.msk [tilespmem:v0+s19+$0xFFFFFFF0 ss:$0x1], $0xffff;
	s31 =	sadd.s32 $0x400, s20;
	[tilespmem:s20+$0x20] =	vst v6  }
0x3d: {  	v61 =	vld.idx.msk [tilespmem:v0+s19+$0x0 ss:$0x1], $0xffff;
	[tilespmem:s31+$0x30] =	vst v56  }
0x3e: {  	v62 =	vld.idx.msk [tilespmem:v0+s19+$0x10 ss:$0x1], $0xffff;
	s18 =	sadd.s32 $0x1, s18;
	[tilespmem:s31+$0xFFFFFFC0] =	vst v57  }
0x3f: {  	v63 =	vld.idx.msk [tilespmem:v0+s19+$0x20 ss:$0x1], $0xffff;
	p1 =	sne.s32 s18, $0x8;
	[tilespmem:s31+$0xFFFFFFD0] =	vst v58  }
.Ltmp4:
0x40: {  	[tilespmem:s31+$0xFFFFFFE0] =	vst v59;
	(pc) =	sbr.rel @p1 .LBB1_4-.Ltmp4, $4  }
0x41: {  	[tilespmem:s31+$0xFFFFFFF0] =	vst v60  }
0x42: {  	[tilespmem:s31+$0x0] =	vst v61  }
0x43: {  	[tilespmem:s31+$0x10] =	vst v62  }
0x44: {  	s16 =	sadd.s32 $0x80, s16;
	s17 =	sadd.s32 $0x400, s17;
	[tilespmem:s31+$0x20] =	vst v63  }
.Ltmp5:
0x45: {  	(pc) =	sbr.rel @p0 .LBB1_3-.Ltmp5, $2  }
0x46: {  	_ =	sdelay $0x2  }
0x47: {  	s16 =	simm.s32 $0x2000;
	p1 =	por $0x0, $0x0  }
.Ltmp6:
0x48: {  	(pc) =	sbr.rel .LBB1_9-.Ltmp6, $4  }
0x49: {  	_ = 	snop  }
0x4a: {  	s12 =	sshll.u32 s12, $0xA  }
0x4b: {  	s12 =	sadd.s32 s4, s12  }
0x4c: {  	[hbm4b:s12+s8] =	stream.linear.scatter [tilespmem:s13], [sflag:$0x2], $0x4000, $0x38;
	[tilespmem:$0x10000] =	vst v63  }
.LBB1_10:
0x4d: {  	_ =	sfence.sel $0x180000  }
0x4e: {  	s2 =	simm.s32 $0x1;
	[bflag:$0x0] =	sbarrier.arrive $0xFFFF  }
0x4f: {  	s31 =	simm.s32 $0x2;
	[sflag:s2] =	ssyncpa.u1 $0x1  }
0x50: {  	[sflag:s31] =	ssyncpa.u1 $0x1  }
0x51: {  	p0 =	sne.s32 s0, $0x0;
	_ =	strace $0x90000047  }
0x52: {  	s0 =	sadd.s32 @!p0 $0x100000, s1;
	[bflag:$0x2] =	sbarrier.arrive $0xFFFF  }
0x53: {  	[sflag:s0] =	ssyncadd.tile.s32 @!p0 $0x1;
	_ =	shalt  }
.Lfunc_end1:
_tile_overlayer_lowered:
.L_overlay_start_2:
0x54: {  	(tag) =	ssettag $0x2  }
0x55: {  	s0 =	rddreg [dreg:$0x0];
	s2 =	stileid.u32  }
0x56: {  	s1 =	rddreg [dreg:$0x1];
	p0 =	sne.s32 s2, $0x0  }
0x57: {  	s3 =	rddreg [dreg:$0x2];
	[bflag:$0x3] =	sbarrier.arrive $0xFFFF;
	s2 =	simm.s32 @!p0 $0x1C01  }
0x58: {  	[timem:s3], [sflag:s2] =	dma.local @!p0 [hbm:s0], s1  }
0x59: {  	s0 =	simm.s32 @!p0 $0x1  }
0x5a: {  	_ =	swait.ge @!p0 [sflag:s0], s1  }
0x5b: {  	s1 =	ssub.s32 @!p0 $0x0, s1;
	[sflag:s0] =	ssyncset.done @!p0 $0x0  }
0x5c: {  	[sflag:s0] =	ssyncadd.s32 @!p0 s1  }
0x5d: {  	[bflag:$0x3] =	sbarrier.arrive $0xFFFF  }
0x5e: {  	_ =	shalt  }

</sc_bundles>
